<compile_context>
chip_gen: v7x
topology: tpu7x:2x2x1
jax: 0.10.2.dev20260603
libtpu: 0.0.44.dev20260713+nightly
codegen_flags: <defaults>
</compile_context>

<pallas_src>
import functools

import jax
import jax.numpy as jnp
from jax import lax
from jax.experimental import pallas as pl
from jax.experimental.pallas import tpu as pltpu
from jax.experimental.pallas import tpu_sc as plsc

BATCH = 16384
HIDDEN = 64
LANES = 128
NUM_WORKERS = 32
RPW = BATCH // NUM_WORKERS
NCH = RPW // LANES
NBUF = 6


def _gather_kernel(tabT, lab_hbm, pos_hbm, out_hbm,
                   labv, posv, rectring, stage, rsv, rsem, osem):
    wid = lax.axis_index("s") * 2 + lax.axis_index("c")
    pltpu.sync_copy(lab_hbm.at[wid], labv)
    pltpu.sync_copy(pos_hbm.at[wid], posv)

    iot = lax.iota(jnp.int32, 16)

    def lab_splat(i):
        grp = (i >> 4) & 7
        v = labv[i >> 7, pl.ds(pl.multiple_of(grp * 16, 16), 16)]
        idx = jnp.broadcast_to(i & 15, (16,))
        return lax.gather(
            v, idx[:, None],
            dimension_numbers=lax.GatherDimensionNumbers(
                offset_dims=(), collapsed_slice_dims=(0,),
                start_index_map=(0,)),
            slice_sizes=(1,),
            mode=lax.GatherScatterMode.PROMISE_IN_BOUNDS)

    def lab_at(i):
        return jnp.sum(jnp.where(iot == 0, lab_splat(i), 0))

    def start_rect_tc(tc, b):
        start = pl.multiple_of(tc * LANES, LANES)
        return pltpu.async_copy(
            tabT.at[:, pl.ds(start, LANES)], rectring.at[b], rsem.at[b])

    def start_rect(i_first, b):
        return start_rect_tc(lab_at(i_first) >> 7, b)

    def rd(i, carry):
        cnt, prev = carry
        tc = lab_at(i) >> 7
        new = tc != prev

        @pl.when(new)
        def _():
            rsv[cnt] = i

            @pl.when(cnt < NBUF)
            def _():
                start_rect_tc(tc, cnt)

        return cnt + new.astype(jnp.int32), tc

    nruns, _ = lax.fori_loop(0, RPW, rd, (jnp.int32(0), jnp.int32(-1)))
    rsv[nruns] = jnp.int32(RPW)

    hvecs = [iot + j * 16 for j in range(HIDDEN // 16)]

    def run_body(r, _):
        p = lax.rem(r, jnp.int32(NBUF))
        pltpu.make_async_copy(
            tabT.at[:, pl.ds(0, LANES)], rectring.at[p], rsem.at[p]).wait()

        def ext(i, _):
            lane = lab_splat(i) & (LANES - 1)
            for j in range(HIDDEN // 16):
                g = plsc.load_gather(rectring.at[p], [hvecs[j], lane])
                stage[i, pl.ds(j * 16, 16)] = g
            return 0

        lax.fori_loop(rsv[r], rsv[r + 1], ext, 0)

        @pl.when(r + NBUF < nruns)
        def _():
            start_rect(rsv[r + NBUF], p)

        return 0

    lax.fori_loop(0, nruns, run_body, 0)

    cps = []
    for c in range(NCH):
        for k in range(LANES // 16):
            pv = posv[c, pl.ds(k * 16, 16)]
            cps.append(pltpu.async_copy(
                stage.at[pl.ds(c * LANES + k * 16, 16)], out_hbm.at[pv], osem))
    for cp in cps:
        cp.wait()


@jax.jit
def _embed(lab3, pos3, tabT):
    mesh = plsc.VectorSubcoreMesh(core_axis_name="c", subcore_axis_name="s")
    run = functools.partial(
        pl.kernel,
        mesh=mesh,
        out_type=jax.ShapeDtypeStruct((BATCH, LANES), jnp.float32),
        scratch_types=[
            pltpu.VMEM((NCH, LANES), jnp.int32),
            pltpu.VMEM((NCH, LANES), jnp.int32),
            pltpu.VMEM((NBUF, HIDDEN, LANES), jnp.float32),
            pltpu.VMEM((RPW, LANES), jnp.float32),
            pltpu.SMEM((RPW + 32, ), jnp.int32),
            pltpu.SemaphoreType.DMA((NBUF,)),
            pltpu.SemaphoreType.DMA,
        ],
        compiler_params=pltpu.CompilerParams(
            disable_bounds_checks=True, needs_layout_passes=False),
    )(_gather_kernel)
    return run(tabT, lab3, pos3)


def kernel(labels, train, table):
    del train
    order = lax.iota(jnp.int32, BATCH)
    slab, order = lax.sort((labels.astype(jnp.int32), order), num_keys=1)
    out_p = _embed(slab.reshape(NUM_WORKERS, NCH, LANES),
                   order.reshape(NUM_WORKERS, NCH, LANES),
                   table.T)
    return out_p[:, :HIDDEN]

# --- scband reference (transcript-rebuilt; emitter-appended) ---
"""Pipeline reference for scband-label-embedder-6270652252547 (READ-ONLY COPY).

The authoritative reference and input builder live on the scoring server;
editing this copy changes nothing except your own understanding.
"""

import jax, jax.numpy as jnp
import numpy as np

NUM_CLASSES = 1000000
HIDDEN_SIZE = 64
DROPOUT_PROB = 0.1
BATCH = 16384


def setup_inputs(seed: int = 0) -> dict:
    key = jax.random.key(seed)
    k1, k2 = jax.random.split(key)
    labels = jax.random.randint(k1, (BATCH,), 0, NUM_CLASSES, dtype=jnp.int64 if jax.config.read('jax_enable_x64') else jnp.int32)
    # embedding table has num_classes + 1 rows (extra CFG null-class row since dropout_prob > 0)
    table = jax.random.normal(k2, (NUM_CLASSES + 1, HIDDEN_SIZE), dtype=jnp.float32)
    return {"labels": labels, "train": 0, "table": table}


def reference(labels, train, table):
    # LabelEmbedder.forward with train=False (or dropout disabled at eval):
    # token_drop is skipped, so this is a pure embedding gather.
    use_dropout = DROPOUT_PROB > 0
    # deterministic surrogate would be needed for RNG-based drop; harness uses train=0
    drop_ids = jnp.zeros((labels.shape[0],), dtype=bool)
    gate = jnp.logical_and(train != 0, use_dropout)
    labels = jnp.where(jnp.logical_and(gate, drop_ids), NUM_CLASSES, labels)
    embeddings = jnp.take(table, labels, axis=0)
    return embeddings

if __name__ == "__main__":
    import jax
    _d = setup_inputs()
    print(jax.jit(kernel)(*tuple(_d.values())))

</pallas_src>

<mosaic_0001>
#map = affine_map<(d0, d1) -> (0, 0)>
#map1 = affine_map<(d0, d1) -> (0, 0, 0)>
module attributes {stable_mosaic.version = 14 : i64} {
  func.func @_gather_kernel(%arg0: i32, %arg1: i32, %arg2: memref<64x1000001xf32, #tpu.memory_space<hbm>>, %arg3: memref<32x4x128xi32, #tpu.memory_space<hbm>>, %arg4: memref<32x4x128xi32, #tpu.memory_space<hbm>>, %arg5: memref<16384x128xf32, #tpu.memory_space<hbm>>, %arg6: memref<4x128xi32, #tpu.memory_space<vmem>>, %arg7: memref<4x128xi32, #tpu.memory_space<vmem>>, %arg8: memref<6x64x128xf32, #tpu.memory_space<vmem>>, %arg9: memref<512x128xf32, #tpu.memory_space<vmem>>, %arg10: memref<544xi32, #tpu.memory_space<smem>>, %arg11: memref<6x!tpu.dma_semaphore, #tpu.memory_space<semaphore_mem>>, %arg12: memref<!tpu.dma_semaphore, #tpu.memory_space<semaphore_mem>>) attributes {dimension_semantics = [#tpu.dimension_semantics<core_parallel>, #tpu.dimension_semantics<subcore_parallel>], iteration_bounds = array<i64: 2, 16>, scalar_prefetch = 0 : i64, scratch_operands = 7 : i64, tpu.core_type = #tpu.core_type<sc_vector_subcore>, window_params = [{transform_indices = #map}, {transform_indices = #map1}, {transform_indices = #map1}, {transform_indices = #map}]} {
    %mul3A = arith.constant 2 : i32
    %mul3A_0 = arith.muli %arg1, %mul3A : i32
    %add3A = arith.addi %mul3A_0, %arg0 : i32
    "tpu.region"() ({
      %run_scoped3A = tpu.sem_alloc : memref<!tpu.dma_semaphore, #tpu.memory_space<semaphore_mem>>
      %dma_start3A_542 = arith.constant 0 : i32
      %dma_start3A_543 = arith.constant 0 : i32
      %dma_start3A_544 = tpu.memref_slice %arg3[%add3A, %dma_start3A_542, %dma_start3A_543] : memref<32x4x128xi32, #tpu.memory_space<hbm>> -> memref<1x4x128xi32, #tpu.memory_space<hbm>>
      %dma_start3A_545 = tpu.memref_squeeze %dma_start3A_544 : memref<1x4x128xi32, #tpu.memory_space<hbm>> -> memref<4x128xi32, #tpu.memory_space<hbm>>
      %dma_start3A_546 = arith.constant 0 : i32
      %dma_start3A_547 = arith.constant 0 : i32
      %dma_start3A_548 = tpu.memref_slice %arg3[%add3A, %dma_start3A_546, %dma_start3A_547] : memref<32x4x128xi32, #tpu.memory_space<hbm>> -> memref<1x4x128xi32, #tpu.memory_space<hbm>>
      %dma_start3A_549 = tpu.memref_squeeze %dma_start3A_548 : memref<1x4x128xi32, #tpu.memory_space<hbm>> -> memref<4x128xi32, #tpu.memory_space<hbm>>
      tpu.enqueue_dma source(%dma_start3A_549 : memref<4x128xi32, #tpu.memory_space<hbm>>) target(%arg6 : memref<4x128xi32, #tpu.memory_space<vmem>>) target_semaphore(%run_scoped3A : memref<!tpu.dma_semaphore, #tpu.memory_space<semaphore_mem>>)
      %dma_wait3A_550 = arith.constant 0 : i32
      %dma_wait3A_551 = arith.constant 0 : i32
      %dma_wait3A_552 = tpu.memref_slice %arg3[%add3A, %dma_wait3A_550, %dma_wait3A_551] : memref<32x4x128xi32, #tpu.memory_space<hbm>> -> memref<1x4x128xi32, #tpu.memory_space<hbm>>
      %dma_wait3A_553 = tpu.memref_squeeze %dma_wait3A_552 : memref<1x4x128xi32, #tpu.memory_space<hbm>> -> memref<4x128xi32, #tpu.memory_space<hbm>>
      %dma_wait3A_554 = arith.constant 0 : i32
      %dma_wait3A_555 = arith.constant 0 : i32
      %dma_wait3A_556 = tpu.memref_slice %arg3[%add3A, %dma_wait3A_554, %dma_wait3A_555] : memref<32x4x128xi32, #tpu.memory_space<hbm>> -> memref<1x4x128xi32, #tpu.memory_space<hbm>>
      %dma_wait3A_557 = tpu.memref_squeeze %dma_wait3A_556 : memref<1x4x128xi32, #tpu.memory_space<hbm>> -> memref<4x128xi32, #tpu.memory_space<hbm>>
      tpu.wait_dma2 semaphore(%run_scoped3A : memref<!tpu.dma_semaphore, #tpu.memory_space<semaphore_mem>>) src(%dma_wait3A_557 : memref<4x128xi32, #tpu.memory_space<hbm>>) dst(%arg6 : memref<4x128xi32, #tpu.memory_space<vmem>>)
      tpu.yield
    }) : () -> ()
    "tpu.region"() ({
      %run_scoped3A = tpu.sem_alloc : memref<!tpu.dma_semaphore, #tpu.memory_space<semaphore_mem>>
      %dma_start3A_542 = arith.constant 0 : i32
      %dma_start3A_543 = arith.constant 0 : i32
      %dma_start3A_544 = tpu.memref_slice %arg4[%add3A, %dma_start3A_542, %dma_start3A_543] : memref<32x4x128xi32, #tpu.memory_space<hbm>> -> memref<1x4x128xi32, #tpu.memory_space<hbm>>
      %dma_start3A_545 = tpu.memref_squeeze %dma_start3A_544 : memref<1x4x128xi32, #tpu.memory_space<hbm>> -> memref<4x128xi32, #tpu.memory_space<hbm>>
      %dma_start3A_546 = arith.constant 0 : i32
      %dma_start3A_547 = arith.constant 0 : i32
      %dma_start3A_548 = tpu.memref_slice %arg4[%add3A, %dma_start3A_546, %dma_start3A_547] : memref<32x4x128xi32, #tpu.memory_space<hbm>> -> memref<1x4x128xi32, #tpu.memory_space<hbm>>
      %dma_start3A_549 = tpu.memref_squeeze %dma_start3A_548 : memref<1x4x128xi32, #tpu.memory_space<hbm>> -> memref<4x128xi32, #tpu.memory_space<hbm>>
      tpu.enqueue_dma source(%dma_start3A_549 : memref<4x128xi32, #tpu.memory_space<hbm>>) target(%arg7 : memref<4x128xi32, #tpu.memory_space<vmem>>) target_semaphore(%run_scoped3A : memref<!tpu.dma_semaphore, #tpu.memory_space<semaphore_mem>>)
      %dma_wait3A_550 = arith.constant 0 : i32
      %dma_wait3A_551 = arith.constant 0 : i32
      %dma_wait3A_552 = tpu.memref_slice %arg4[%add3A, %dma_wait3A_550, %dma_wait3A_551] : memref<32x4x128xi32, #tpu.memory_space<hbm>> -> memref<1x4x128xi32, #tpu.memory_space<hbm>>
      %dma_wait3A_553 = tpu.memref_squeeze %dma_wait3A_552 : memref<1x4x128xi32, #tpu.memory_space<hbm>> -> memref<4x128xi32, #tpu.memory_space<hbm>>
      %dma_wait3A_554 = arith.constant 0 : i32
      %dma_wait3A_555 = arith.constant 0 : i32
      %dma_wait3A_556 = tpu.memref_slice %arg4[%add3A, %dma_wait3A_554, %dma_wait3A_555] : memref<32x4x128xi32, #tpu.memory_space<hbm>> -> memref<1x4x128xi32, #tpu.memory_space<hbm>>
      %dma_wait3A_557 = tpu.memref_squeeze %dma_wait3A_556 : memref<1x4x128xi32, #tpu.memory_space<hbm>> -> memref<4x128xi32, #tpu.memory_space<hbm>>
      tpu.wait_dma2 semaphore(%run_scoped3A : memref<!tpu.dma_semaphore, #tpu.memory_space<semaphore_mem>>) src(%dma_wait3A_557 : memref<4x128xi32, #tpu.memory_space<hbm>>) dst(%arg7 : memref<4x128xi32, #tpu.memory_space<vmem>>)
      tpu.yield
    }) : () -> ()
    %iota3A = tpu.iota {dimensions = array<i32: 0>} : vector<16xi32>
    %scan3A = arith.constant 0 : i32
    %scan3A_1 = arith.constant -1 : i32
    %scan3A_2 = arith.constant 0 : i32
    %scan3A_3 = arith.constant 512 : i32
    %scan3A_4 = arith.addi %scan3A_2, %scan3A_3 : i32
    %scan3A_5 = arith.constant 1 : i32
    %scan3A_6:2 = scf.for %scan3A_542 = %scan3A_2 to %scan3A_4 step %scan3A_5 iter_args(%scan3A_543 = %scan3A, %scan3A_544 = %scan3A_1) -> (i32, i32)  : i32 {
      %eq3A = arith.constant 0 : i32
      %eq3A_545 = vector.broadcast %eq3A : i32 to vector<16xi32>
      %eq3A_546 = arith.cmpi eq, %iota3A, %eq3A_545 : vector<16xi32>
      %shift_right_arithmetic3A = arith.constant 4 : i32
      %shift_right_arithmetic3A_547 = arith.shrsi %scan3A_542, %shift_right_arithmetic3A : i32
      %and3A = arith.constant 7 : i32
      %and3A_548 = arith.andi %shift_right_arithmetic3A_547, %and3A : i32
      %shift_right_arithmetic3A_549 = arith.constant 7 : i32
      %shift_right_arithmetic3A_550 = arith.shrsi %scan3A_542, %shift_right_arithmetic3A_549 : i32
      %mul3A_551 = arith.constant 16 : i32
      %mul3A_552 = arith.muli %and3A_548, %mul3A_551 : i32
      %multiple_of3A = tpu.assume_multiple %mul3A_552, 16 : i32
      %get3A_553 = arith.index_cast %shift_right_arithmetic3A_550 : i32 to index
      %get3A_554 = arith.index_cast %multiple_of3A : i32 to index
      %get3A_555 = tpu.vector_load %arg6[%get3A_553, %get3A_554] {strides = array<i32>} : memref<4x128xi32, #tpu.memory_space<vmem>>, vector<16xi32>,
      %and3A_556 = arith.constant 15 : i32
      %and3A_557 = arith.andi %scan3A_542, %and3A_556 : i32
      %broadcast_in_dim3A = vector.broadcast %and3A_557 : i32 to vector<16xi32>
      %broadcast_in_dim3A_558 = vector.shape_cast %broadcast_in_dim3A : vector<16xi32> to vector<16x1xi32>
      %gather3A = vector.shape_cast %broadcast_in_dim3A_558 : vector<16x1xi32> to vector<16xi32>
      %gather3A_559 = tpu.dynamic_gather %get3A_555[%gather3A] in [0] : vector<16xi32>, vector<16xi32> -> vector<16xi32>
      %jit3A = arith.constant 0 : i32
      %broadcast_in_dim3A_560 = vector.broadcast %jit3A : i32 to vector<16xi32>
      %select_n3A = arith.select %eq3A_546, %gather3A_559, %broadcast_in_dim3A_560 : vector<16xi1>, vector<16xi32>
      %reduce_sum3A = arith.constant true
      %reduce_sum3A_561 = vector.broadcast %reduce_sum3A : i1 to vector<16xi1>
      %reduce_sum3A_562 = tpu.scan <sum>, %select_n3A masked %reduce_sum3A_561 : vector<16xi32>, vector<16xi1> -> vector<16xi32>
      %reduce_sum3A_563 = vector.extract %reduce_sum3A_562[15] : i32 from vector<16xi32>
      %shift_right_arithmetic3A_564 = arith.constant 7 : i32
      %shift_right_arithmetic3A_565 = arith.shrsi %reduce_sum3A_563, %shift_right_arithmetic3A_564 : i32
      %ne3A = arith.cmpi ne, %shift_right_arithmetic3A_565, %scan3A_544 : i32
      %convert_element_type3A = arith.extui %ne3A : i1 to i32
      %cond3A = arith.constant 0 : i32
      %cond3A_566 = arith.cmpi ne, %convert_element_type3A, %cond3A : i32
      scf.if %cond3A_566 {
        %swap3A_569 = arith.index_cast %scan3A_543 : i32 to index
        %swap3A_570 = memref.load %arg10[%swap3A_569] : memref<544xi32, #tpu.memory_space<smem>>
        memref.store %scan3A_542, %arg10[%swap3A_569] : memref<544xi32, #tpu.memory_space<smem>>
        %lt3A = arith.constant 6 : i32
        %lt3A_571 = arith.cmpi slt, %scan3A_543, %lt3A : i32
        %convert_element_type3A_572 = arith.extui %lt3A_571 : i1 to i32
        %cond3A_573 = arith.constant 0 : i32
        %cond3A_574 = arith.cmpi ne, %convert_element_type3A_572, %cond3A_573 : i32
        scf.if %cond3A_574 {
          %mul3A_575 = arith.constant 128 : i32
          %mul3A_576 = arith.muli %shift_right_arithmetic3A_565, %mul3A_575 : i32
          %multiple_of3A_577 = tpu.assume_multiple %mul3A_576, 128 : i32
          %dma_start3A_578 = arith.constant 0 : i32
          %dma_start3A_579 = arith.constant 0 : i32
          %dma_start3A_580 = tpu.memref_slice %arg8[%scan3A_543, %dma_start3A_578, %dma_start3A_579] : memref<6x64x128xf32, #tpu.memory_space<vmem>> -> memref<1x64x128xf32, #tpu.memory_space<vmem>>
          %dma_start3A_581 = tpu.memref_squeeze %dma_start3A_580 : memref<1x64x128xf32, #tpu.memory_space<vmem>> -> memref<64x128xf32, #tpu.memory_space<vmem>>
          %dma_start3A_582 = arith.constant 0 : i32
          %dma_start3A_583 = tpu.memref_slice %arg2[%dma_start3A_582, %multiple_of3A_577] : memref<64x1000001xf32, #tpu.memory_space<hbm>> -> memref<64x128xf32, #tpu.memory_space<hbm>>
          %dma_start3A_584 = tpu.memref_slice %arg11[%scan3A_543] : memref<6x!tpu.dma_semaphore, #tpu.memory_space<semaphore_mem>> -> memref<1x!tpu.dma_semaphore, #tpu.memory_space<semaphore_mem>>
          %dma_start3A_585 = tpu.memref_squeeze %dma_start3A_584 : memref<1x!tpu.dma_semaphore, #tpu.memory_space<semaphore_mem>> -> memref<!tpu.dma_semaphore, #tpu.memory_space<semaphore_mem>>
          %dma_start3A_586 = arith.constant 0 : i32
          %dma_start3A_587 = arith.constant 0 : i32
          %dma_start3A_588 = tpu.memref_slice %arg8[%scan3A_543, %dma_start3A_586, %dma_start3A_587] : memref<6x64x128xf32, #tpu.memory_space<vmem>> -> memref<1x64x128xf32, #tpu.memory_space<vmem>>
          %dma_start3A_589 = tpu.memref_squeeze %dma_start3A_588 : memref<1x64x128xf32, #tpu.memory_space<vmem>> -> memref<64x128xf32, #tpu.memory_space<vmem>>
          %dma_start3A_590 = arith.constant 0 : i32
          %dma_start3A_591 = tpu.memref_slice %arg2[%dma_start3A_590, %multiple_of3A_577] : memref<64x1000001xf32, #tpu.memory_space<hbm>> -> memref<64x128xf32, #tpu.memory_space<hbm>>
          tpu.enqueue_dma source(%dma_start3A_591 : memref<64x128xf32, #tpu.memory_space<hbm>>) target(%dma_start3A_589 : memref<64x128xf32, #tpu.memory_space<vmem>>) target_semaphore(%dma_start3A_585 : memref<!tpu.dma_semaphore, #tpu.memory_space<semaphore_mem>>)
        } else {
        }
      } else {
      }
      %convert_element_type3A_567 = arith.extui %ne3A : i1 to i32
      %add3A_568 = arith.addi %scan3A_543, %convert_element_type3A_567 : i32
      scf.yield %add3A_568, %shift_right_arithmetic3A_565 : i32, i32
    }
    %scan3A_7 = arith.constant 512 : i32
    %swap3A = arith.constant 512 : i32
    %swap3A_8 = arith.index_cast %scan3A_6#0 : i32 to index
    %swap3A_9 = memref.load %arg10[%swap3A_8] : memref<544xi32, #tpu.memory_space<smem>>
    memref.store %swap3A, %arg10[%swap3A_8] : memref<544xi32, #tpu.memory_space<smem>>
    %add3A_10 = arith.constant 0 : i32
    %add3A_11 = vector.broadcast %add3A_10 : i32 to vector<16xi32>
    %add3A_12 = arith.addi %iota3A, %add3A_11 : vector<16xi32>
    %add3A_13 = arith.constant 16 : i32
    %add3A_14 = vector.broadcast %add3A_13 : i32 to vector<16xi32>
    %add3A_15 = arith.addi %iota3A, %add3A_14 : vector<16xi32>
    %add3A_16 = arith.constant 32 : i32
    %add3A_17 = vector.broadcast %add3A_16 : i32 to vector<16xi32>
    %add3A_18 = arith.addi %iota3A, %add3A_17 : vector<16xi32>
    %add3A_19 = arith.constant 48 : i32
    %add3A_20 = vector.broadcast %add3A_19 : i32 to vector<16xi32>
    %add3A_21 = arith.addi %iota3A, %add3A_20 : vector<16xi32>
    %while3A = arith.constant 0 : i32
    %while3A_22 = arith.constant 0 : i32
    %while3A_23 = arith.subi %scan3A_6#0, %while3A : i32
    %while3A_24 = arith.addi %while3A, %while3A_23 : i32
    %while3A_25 = arith.constant 1 : i32
    %while3A_26 = arith.divsi %while3A_23, %while3A_25 : i32
    %while3A_27 = arith.muli %while3A_26, %while3A_25 : i32
    %while3A_28 = arith.addi %while3A, %while3A_27 : i32
    %while3A_29 = arith.constant 1 : i32
    %while3A_30 = scf.for %while3A_542 = %while3A to %while3A_28 step %while3A_29 iter_args(%while3A_543 = %while3A_22) -> (i32)  : i32 {
      %rem3A = arith.constant 6 : i32
      %rem3A_544 = arith.remsi %while3A_542, %rem3A : i32
      %dma_wait3A_545 = arith.constant 0 : i32
      %dma_wait3A_546 = arith.constant 0 : i32
      %dma_wait3A_547 = tpu.memref_slice %arg8[%rem3A_544, %dma_wait3A_545, %dma_wait3A_546] : memref<6x64x128xf32, #tpu.memory_space<vmem>> -> memref<1x64x128xf32, #tpu.memory_space<vmem>>
      %dma_wait3A_548 = tpu.memref_squeeze %dma_wait3A_547 : memref<1x64x128xf32, #tpu.memory_space<vmem>> -> memref<64x128xf32, #tpu.memory_space<vmem>>
      %dma_wait3A_549 = arith.constant 0 : i32
      %dma_wait3A_550 = arith.constant 0 : i32
      %dma_wait3A_551 = tpu.memref_slice %arg2[%dma_wait3A_549, %dma_wait3A_550] : memref<64x1000001xf32, #tpu.memory_space<hbm>> -> memref<64x128xf32, #tpu.memory_space<hbm>>
      %dma_wait3A_552 = tpu.memref_slice %arg11[%rem3A_544] : memref<6x!tpu.dma_semaphore, #tpu.memory_space<semaphore_mem>> -> memref<1x!tpu.dma_semaphore, #tpu.memory_space<semaphore_mem>>
      %dma_wait3A_553 = tpu.memref_squeeze %dma_wait3A_552 : memref<1x!tpu.dma_semaphore, #tpu.memory_space<semaphore_mem>> -> memref<!tpu.dma_semaphore, #tpu.memory_space<semaphore_mem>>
      %dma_wait3A_554 = arith.constant 0 : i32
      %dma_wait3A_555 = arith.constant 0 : i32
      %dma_wait3A_556 = tpu.memref_slice %arg8[%rem3A_544, %dma_wait3A_554, %dma_wait3A_555] : memref<6x64x128xf32, #tpu.memory_space<vmem>> -> memref<1x64x128xf32, #tpu.memory_space<vmem>>
      %dma_wait3A_557 = tpu.memref_squeeze %dma_wait3A_556 : memref<1x64x128xf32, #tpu.memory_space<vmem>> -> memref<64x128xf32, #tpu.memory_space<vmem>>
      %dma_wait3A_558 = arith.constant 0 : i32
      %dma_wait3A_559 = arith.constant 0 : i32
      %dma_wait3A_560 = tpu.memref_slice %arg2[%dma_wait3A_558, %dma_wait3A_559] : memref<64x1000001xf32, #tpu.memory_space<hbm>> -> memref<64x128xf32, #tpu.memory_space<hbm>>
      tpu.wait_dma2 semaphore(%dma_wait3A_553 : memref<!tpu.dma_semaphore, #tpu.memory_space<semaphore_mem>>) src(%dma_wait3A_560 : memref<64x128xf32, #tpu.memory_space<hbm>>) dst(%dma_wait3A_557 : memref<64x128xf32, #tpu.memory_space<vmem>>)
      %get3A_561 = arith.index_cast %while3A_542 : i32 to index
      %get3A_562 = memref.load %arg10[%get3A_561] : memref<544xi32, #tpu.memory_space<smem>>
      %add3A_563 = arith.constant 1 : i32
      %add3A_564 = arith.addi %while3A_542, %add3A_563 : i32
      %get3A_565 = arith.index_cast %add3A_564 : i32 to index
      %get3A_566 = memref.load %arg10[%get3A_565] : memref<544xi32, #tpu.memory_space<smem>>
      %while3A_567 = arith.constant 0 : i32
      %while3A_568 = arith.subi %get3A_566, %get3A_562 : i32
      %while3A_569 = arith.addi %get3A_562, %while3A_568 : i32
      %while3A_570 = arith.constant 1 : i32
      %while3A_571 = arith.divsi %while3A_568, %while3A_570 : i32
      %while3A_572 = arith.muli %while3A_571, %while3A_570 : i32
      %while3A_573 = arith.addi %get3A_562, %while3A_572 : i32
      %while3A_574 = arith.constant 1 : i32
      %while3A_575 = scf.for %while3A_582 = %get3A_562 to %while3A_573 step %while3A_574 iter_args(%while3A_583 = %while3A_567) -> (i32)  : i32 {
        %shift_right_arithmetic3A = arith.constant 4 : i32
        %shift_right_arithmetic3A_584 = arith.shrsi %while3A_582, %shift_right_arithmetic3A : i32
        %and3A = arith.constant 7 : i32
        %and3A_585 = arith.andi %shift_right_arithmetic3A_584, %and3A : i32
        %shift_right_arithmetic3A_586 = arith.constant 7 : i32
        %shift_right_arithmetic3A_587 = arith.shrsi %while3A_582, %shift_right_arithmetic3A_586 : i32
        %mul3A_588 = arith.constant 16 : i32
        %mul3A_589 = arith.muli %and3A_585, %mul3A_588 : i32
        %multiple_of3A = tpu.assume_multiple %mul3A_589, 16 : i32
        %get3A_590 = arith.index_cast %shift_right_arithmetic3A_587 : i32 to index
        %get3A_591 = arith.index_cast %multiple_of3A : i32 to index
        %get3A_592 = tpu.vector_load %arg6[%get3A_590, %get3A_591] {strides = array<i32>} : memref<4x128xi32, #tpu.memory_space<vmem>>, vector<16xi32>,
        %and3A_593 = arith.constant 15 : i32
        %and3A_594 = arith.andi %while3A_582, %and3A_593 : i32
        %broadcast_in_dim3A = vector.broadcast %and3A_594 : i32 to vector<16xi32>
        %broadcast_in_dim3A_595 = vector.shape_cast %broadcast_in_dim3A : vector<16xi32> to vector<16x1xi32>
        %gather3A = vector.shape_cast %broadcast_in_dim3A_595 : vector<16x1xi32> to vector<16xi32>
        %gather3A_596 = tpu.dynamic_gather %get3A_592[%gather3A] in [0] : vector<16xi32>, vector<16xi32> -> vector<16xi32>
        %and3A_597 = arith.constant 127 : i32
        %and3A_598 = vector.broadcast %and3A_597 : i32 to vector<16xi32>
        %and3A_599 = arith.andi %gather3A_596, %and3A_598 : vector<16xi32>
        %gather3A_600 = arith.constant 0 : i32
        %gather3A_601 = arith.constant 0 : i32
        %gather3A_602 = tpu.memref_slice %arg8[%rem3A_544, %gather3A_600, %gather3A_601] : memref<6x64x128xf32, #tpu.memory_space<vmem>> -> memref<1x64x128xf32, #tpu.memory_space<vmem>>
        %gather3A_603 = tpu.memref_squeeze %gather3A_602 : memref<1x64x128xf32, #tpu.memory_space<vmem>> -> memref<64x128xf32, #tpu.memory_space<vmem>>
        %gather3A_604 = tpu.vector_load_idx %gather3A_603[%add3A_12, %and3A_599] : memref<64x128xf32, #tpu.memory_space<vmem>>[vector<16xi32>, vector<16xi32>], vector<16xf32>,
        %swap3A_605 = arith.index_cast %while3A_582 : i32 to index
        %swap3A_606 = arith.constant 0 : index
        %swap3A_607 = tpu.vector_load %arg9[%swap3A_605, %swap3A_606] {strides = array<i32>} : memref<512x128xf32, #tpu.memory_space<vmem>>, vector<16xf32>,
        tpu.vector_store %arg9[%swap3A_605, %swap3A_606], %gather3A_604 {strides = array<i32>} : memref<512x128xf32, #tpu.memory_space<vmem>>, vector<16xf32>,
        %gather3A_608 = arith.constant 0 : i32
        %gather3A_609 = arith.constant 0 : i32
        %gather3A_610 = tpu.memref_slice %arg8[%rem3A_544, %gather3A_608, %gather3A_609] : memref<6x64x128xf32, #tpu.memory_space<vmem>> -> memref<1x64x128xf32, #tpu.memory_space<vmem>>
        %gather3A_611 = tpu.memref_squeeze %gather3A_610 : memref<1x64x128xf32, #tpu.memory_space<vmem>> -> memref<64x128xf32, #tpu.memory_space<vmem>>
        %gather3A_612 = tpu.vector_load_idx %gather3A_611[%add3A_15, %and3A_599] : memref<64x128xf32, #tpu.memory_space<vmem>>[vector<16xi32>, vector<16xi32>], vector<16xf32>,
        %swap3A_613 = arith.index_cast %while3A_582 : i32 to index
        %swap3A_614 = arith.constant 16 : index
        %swap3A_615 = tpu.vector_load %arg9[%swap3A_613, %swap3A_614] {strides = array<i32>} : memref<512x128xf32, #tpu.memory_space<vmem>>, vector<16xf32>,
        tpu.vector_store %arg9[%swap3A_613, %swap3A_614], %gather3A_612 {strides = array<i32>} : memref<512x128xf32, #tpu.memory_space<vmem>>, vector<16xf32>,
        %gather3A_616 = arith.constant 0 : i32
        %gather3A_617 = arith.constant 0 : i32
        %gather3A_618 = tpu.memref_slice %arg8[%rem3A_544, %gather3A_616, %gather3A_617] : memref<6x64x128xf32, #tpu.memory_space<vmem>> -> memref<1x64x128xf32, #tpu.memory_space<vmem>>
        %gather3A_619 = tpu.memref_squeeze %gather3A_618 : memref<1x64x128xf32, #tpu.memory_space<vmem>> -> memref<64x128xf32, #tpu.memory_space<vmem>>
        %gather3A_620 = tpu.vector_load_idx %gather3A_619[%add3A_18, %and3A_599] : memref<64x128xf32, #tpu.memory_space<vmem>>[vector<16xi32>, vector<16xi32>], vector<16xf32>,
        %swap3A_621 = arith.index_cast %while3A_582 : i32 to index
        %swap3A_622 = arith.constant 32 : index
        %swap3A_623 = tpu.vector_load %arg9[%swap3A_621, %swap3A_622] {strides = array<i32>} : memref<512x128xf32, #tpu.memory_space<vmem>>, vector<16xf32>,
        tpu.vector_store %arg9[%swap3A_621, %swap3A_622], %gather3A_620 {strides = array<i32>} : memref<512x128xf32, #tpu.memory_space<vmem>>, vector<16xf32>,
        %gather3A_624 = arith.constant 0 : i32
        %gather3A_625 = arith.constant 0 : i32
        %gather3A_626 = tpu.memref_slice %arg8[%rem3A_544, %gather3A_624, %gather3A_625] : memref<6x64x128xf32, #tpu.memory_space<vmem>> -> memref<1x64x128xf32, #tpu.memory_space<vmem>>
        %gather3A_627 = tpu.memref_squeeze %gather3A_626 : memref<1x64x128xf32, #tpu.memory_space<vmem>> -> memref<64x128xf32, #tpu.memory_space<vmem>>
        %gather3A_628 = tpu.vector_load_idx %gather3A_627[%add3A_21, %and3A_599] : memref<64x128xf32, #tpu.memory_space<vmem>>[vector<16xi32>, vector<16xi32>], vector<16xf32>,
        %swap3A_629 = arith.index_cast %while3A_582 : i32 to index
        %swap3A_630 = arith.constant 48 : index
        %swap3A_631 = tpu.vector_load %arg9[%swap3A_629, %swap3A_630] {strides = array<i32>} : memref<512x128xf32, #tpu.memory_space<vmem>>, vector<16xf32>,
        tpu.vector_store %arg9[%swap3A_629, %swap3A_630], %gather3A_628 {strides = array<i32>} : memref<512x128xf32, #tpu.memory_space<vmem>>, vector<16xf32>,
        %while3A_632 = arith.constant 0 : i32
        scf.yield %while3A_632 : i32
      }
      %while3A_576 = arith.constant 1 : i32
      %while3A_577 = scf.for %while3A_582 = %while3A_573 to %while3A_569 step %while3A_576 iter_args(%while3A_583 = %while3A_575) -> (i32)  : i32 {
        %shift_right_arithmetic3A = arith.constant 4 : i32
        %shift_right_arithmetic3A_584 = arith.shrsi %while3A_582, %shift_right_arithmetic3A : i32
        %and3A = arith.constant 7 : i32
        %and3A_585 = arith.andi %shift_right_arithmetic3A_584, %and3A : i32
        %shift_right_arithmetic3A_586 = arith.constant 7 : i32
        %shift_right_arithmetic3A_587 = arith.shrsi %while3A_582, %shift_right_arithmetic3A_586 : i32
        %mul3A_588 = arith.constant 16 : i32
        %mul3A_589 = arith.muli %and3A_585, %mul3A_588 : i32
        %multiple_of3A = tpu.assume_multiple %mul3A_589, 16 : i32
        %get3A_590 = arith.index_cast %shift_right_arithmetic3A_587 : i32 to index
        %get3A_591 = arith.index_cast %multiple_of3A : i32 to index
        %get3A_592 = tpu.vector_load %arg6[%get3A_590, %get3A_591] {strides = array<i32>} : memref<4x128xi32, #tpu.memory_space<vmem>>, vector<16xi32>,
        %and3A_593 = arith.constant 15 : i32
        %and3A_594 = arith.andi %while3A_582, %and3A_593 : i32
        %broadcast_in_dim3A = vector.broadcast %and3A_594 : i32 to vector<16xi32>
        %broadcast_in_dim3A_595 = vector.shape_cast %broadcast_in_dim3A : vector<16xi32> to vector<16x1xi32>
        %gather3A = vector.shape_cast %broadcast_in_dim3A_595 : vector<16x1xi32> to vector<16xi32>
        %gather3A_596 = tpu.dynamic_gather %get3A_592[%gather3A] in [0] : vector<16xi32>, vector<16xi32> -> vector<16xi32>
        %and3A_597 = arith.constant 127 : i32
        %and3A_598 = vector.broadcast %and3A_597 : i32 to vector<16xi32>
        %and3A_599 = arith.andi %gather3A_596, %and3A_598 : vector<16xi32>
        %gather3A_600 = arith.constant 0 : i32
        %gather3A_601 = arith.constant 0 : i32
        %gather3A_602 = tpu.memref_slice %arg8[%rem3A_544, %gather3A_600, %gather3A_601] : memref<6x64x128xf32, #tpu.memory_space<vmem>> -> memref<1x64x128xf32, #tpu.memory_space<vmem>>
        %gather3A_603 = tpu.memref_squeeze %gather3A_602 : memref<1x64x128xf32, #tpu.memory_space<vmem>> -> memref<64x128xf32, #tpu.memory_space<vmem>>
        %gather3A_604 = tpu.vector_load_idx %gather3A_603[%add3A_12, %and3A_599] : memref<64x128xf32, #tpu.memory_space<vmem>>[vector<16xi32>, vector<16xi32>], vector<16xf32>,
        %swap3A_605 = arith.index_cast %while3A_582 : i32 to index
        %swap3A_606 = arith.constant 0 : index
        %swap3A_607 = tpu.vector_load %arg9[%swap3A_605, %swap3A_606] {strides = array<i32>} : memref<512x128xf32, #tpu.memory_space<vmem>>, vector<16xf32>,
        tpu.vector_store %arg9[%swap3A_605, %swap3A_606], %gather3A_604 {strides = array<i32>} : memref<512x128xf32, #tpu.memory_space<vmem>>, vector<16xf32>,
        %gather3A_608 = arith.constant 0 : i32
        %gather3A_609 = arith.constant 0 : i32
        %gather3A_610 = tpu.memref_slice %arg8[%rem3A_544, %gather3A_608, %gather3A_609] : memref<6x64x128xf32, #tpu.memory_space<vmem>> -> memref<1x64x128xf32, #tpu.memory_space<vmem>>
        %gather3A_611 = tpu.memref_squeeze %gather3A_610 : memref<1x64x128xf32, #tpu.memory_space<vmem>> -> memref<64x128xf32, #tpu.memory_space<vmem>>
        %gather3A_612 = tpu.vector_load_idx %gather3A_611[%add3A_15, %and3A_599] : memref<64x128xf32, #tpu.memory_space<vmem>>[vector<16xi32>, vector<16xi32>], vector<16xf32>,
        %swap3A_613 = arith.index_cast %while3A_582 : i32 to index
        %swap3A_614 = arith.constant 16 : index
        %swap3A_615 = tpu.vector_load %arg9[%swap3A_613, %swap3A_614] {strides = array<i32>} : memref<512x128xf32, #tpu.memory_space<vmem>>, vector<16xf32>,
        tpu.vector_store %arg9[%swap3A_613, %swap3A_614], %gather3A_612 {strides = array<i32>} : memref<512x128xf32, #tpu.memory_space<vmem>>, vector<16xf32>,
        %gather3A_616 = arith.constant 0 : i32
        %gather3A_617 = arith.constant 0 : i32
        %gather3A_618 = tpu.memref_slice %arg8[%rem3A_544, %gather3A_616, %gather3A_617] : memref<6x64x128xf32, #tpu.memory_space<vmem>> -> memref<1x64x128xf32, #tpu.memory_space<vmem>>
        %gather3A_619 = tpu.memref_squeeze %gather3A_618 : memref<1x64x128xf32, #tpu.memory_space<vmem>> -> memref<64x128xf32, #tpu.memory_space<vmem>>
        %gather3A_620 = tpu.vector_load_idx %gather3A_619[%add3A_18, %and3A_599] : memref<64x128xf32, #tpu.memory_space<vmem>>[vector<16xi32>, vector<16xi32>], vector<16xf32>,
        %swap3A_621 = arith.index_cast %while3A_582 : i32 to index
        %swap3A_622 = arith.constant 32 : index
        %swap3A_623 = tpu.vector_load %arg9[%swap3A_621, %swap3A_622] {strides = array<i32>} : memref<512x128xf32, #tpu.memory_space<vmem>>, vector<16xf32>,
        tpu.vector_store %arg9[%swap3A_621, %swap3A_622], %gather3A_620 {strides = array<i32>} : memref<512x128xf32, #tpu.memory_space<vmem>>, vector<16xf32>,
        %gather3A_624 = arith.constant 0 : i32
        %gather3A_625 = arith.constant 0 : i32
        %gather3A_626 = tpu.memref_slice %arg8[%rem3A_544, %gather3A_624, %gather3A_625] : memref<6x64x128xf32, #tpu.memory_space<vmem>> -> memref<1x64x128xf32, #tpu.memory_space<vmem>>
        %gather3A_627 = tpu.memref_squeeze %gather3A_626 : memref<1x64x128xf32, #tpu.memory_space<vmem>> -> memref<64x128xf32, #tpu.memory_space<vmem>>
        %gather3A_628 = tpu.vector_load_idx %gather3A_627[%add3A_21, %and3A_599] : memref<64x128xf32, #tpu.memory_space<vmem>>[vector<16xi32>, vector<16xi32>], vector<16xf32>,
        %swap3A_629 = arith.index_cast %while3A_582 : i32 to index
        %swap3A_630 = arith.constant 48 : index
        %swap3A_631 = tpu.vector_load %arg9[%swap3A_629, %swap3A_630] {strides = array<i32>} : memref<512x128xf32, #tpu.memory_space<vmem>>, vector<16xf32>,
        tpu.vector_store %arg9[%swap3A_629, %swap3A_630], %gather3A_628 {strides = array<i32>} : memref<512x128xf32, #tpu.memory_space<vmem>>, vector<16xf32>,
        %while3A_632 = arith.constant 0 : i32
        scf.yield %while3A_632 : i32
      }
      %add3A_578 = arith.constant 6 : i32
      %add3A_579 = arith.addi %while3A_542, %add3A_578 : i32
      %lt3A = arith.cmpi slt, %add3A_579, %scan3A_6#0 : i32
      %convert_element_type3A = arith.extui %lt3A : i1 to i32
      %cond3A = arith.constant 0 : i32
      %cond3A_580 = arith.cmpi ne, %convert_element_type3A, %cond3A : i32
      scf.if %cond3A_580 {
        %add3A_582 = arith.constant 6 : i32
        %add3A_583 = arith.addi %while3A_542, %add3A_582 : i32
        %get3A_584 = arith.index_cast %add3A_583 : i32 to index
        %get3A_585 = memref.load %arg10[%get3A_584] : memref<544xi32, #tpu.memory_space<smem>>
        %eq3A = arith.constant 0 : i32
        %eq3A_586 = vector.broadcast %eq3A : i32 to vector<16xi32>
        %eq3A_587 = arith.cmpi eq, %iota3A, %eq3A_586 : vector<16xi32>
        %shift_right_arithmetic3A = arith.constant 4 : i32
        %shift_right_arithmetic3A_588 = arith.shrsi %get3A_585, %shift_right_arithmetic3A : i32
        %and3A = arith.constant 7 : i32
        %and3A_589 = arith.andi %shift_right_arithmetic3A_588, %and3A : i32
        %shift_right_arithmetic3A_590 = arith.constant 7 : i32
        %shift_right_arithmetic3A_591 = arith.shrsi %get3A_585, %shift_right_arithmetic3A_590 : i32
        %mul3A_592 = arith.constant 16 : i32
        %mul3A_593 = arith.muli %and3A_589, %mul3A_592 : i32
        %multiple_of3A = tpu.assume_multiple %mul3A_593, 16 : i32
        %get3A_594 = arith.index_cast %shift_right_arithmetic3A_591 : i32 to index
        %get3A_595 = arith.index_cast %multiple_of3A : i32 to index
        %get3A_596 = tpu.vector_load %arg6[%get3A_594, %get3A_595] {strides = array<i32>} : memref<4x128xi32, #tpu.memory_space<vmem>>, vector<16xi32>,
        %and3A_597 = arith.constant 15 : i32
        %and3A_598 = arith.andi %get3A_585, %and3A_597 : i32
        %broadcast_in_dim3A = vector.broadcast %and3A_598 : i32 to vector<16xi32>
        %broadcast_in_dim3A_599 = vector.shape_cast %broadcast_in_dim3A : vector<16xi32> to vector<16x1xi32>
        %gather3A = vector.shape_cast %broadcast_in_dim3A_599 : vector<16x1xi32> to vector<16xi32>
        %gather3A_600 = tpu.dynamic_gather %get3A_596[%gather3A] in [0] : vector<16xi32>, vector<16xi32> -> vector<16xi32>
        %jit3A = arith.constant 0 : i32
        %broadcast_in_dim3A_601 = vector.broadcast %jit3A : i32 to vector<16xi32>
        %select_n3A = arith.select %eq3A_587, %gather3A_600, %broadcast_in_dim3A_601 : vector<16xi1>, vector<16xi32>
        %reduce_sum3A = arith.constant true
        %reduce_sum3A_602 = vector.broadcast %reduce_sum3A : i1 to vector<16xi1>
        %reduce_sum3A_603 = tpu.scan <sum>, %select_n3A masked %reduce_sum3A_602 : vector<16xi32>, vector<16xi1> -> vector<16xi32>
        %reduce_sum3A_604 = vector.extract %reduce_sum3A_603[15] : i32 from vector<16xi32>
        %shift_right_arithmetic3A_605 = arith.constant 7 : i32
        %shift_right_arithmetic3A_606 = arith.shrsi %reduce_sum3A_604, %shift_right_arithmetic3A_605 : i32
        %mul3A_607 = arith.constant 128 : i32
        %mul3A_608 = arith.muli %shift_right_arithmetic3A_606, %mul3A_607 : i32
        %multiple_of3A_609 = tpu.assume_multiple %mul3A_608, 128 : i32
        %dma_start3A_610 = arith.constant 0 : i32
        %dma_start3A_611 = arith.constant 0 : i32
        %dma_start3A_612 = tpu.memref_slice %arg8[%rem3A_544, %dma_start3A_610, %dma_start3A_611] : memref<6x64x128xf32, #tpu.memory_space<vmem>> -> memref<1x64x128xf32, #tpu.memory_space<vmem>>
        %dma_start3A_613 = tpu.memref_squeeze %dma_start3A_612 : memref<1x64x128xf32, #tpu.memory_space<vmem>> -> memref<64x128xf32, #tpu.memory_space<vmem>>
        %dma_start3A_614 = arith.constant 0 : i32
        %dma_start3A_615 = tpu.memref_slice %arg2[%dma_start3A_614, %multiple_of3A_609] : memref<64x1000001xf32, #tpu.memory_space<hbm>> -> memref<64x128xf32, #tpu.memory_space<hbm>>
        %dma_start3A_616 = tpu.memref_slice %arg11[%rem3A_544] : memref<6x!tpu.dma_semaphore, #tpu.memory_space<semaphore_mem>> -> memref<1x!tpu.dma_semaphore, #tpu.memory_space<semaphore_mem>>
        %dma_start3A_617 = tpu.memref_squeeze %dma_start3A_616 : memref<1x!tpu.dma_semaphore, #tpu.memory_space<semaphore_mem>> -> memref<!tpu.dma_semaphore, #tpu.memory_space<semaphore_mem>>
        %dma_start3A_618 = arith.constant 0 : i32
        %dma_start3A_619 = arith.constant 0 : i32
        %dma_start3A_620 = tpu.memref_slice %arg8[%rem3A_544, %dma_start3A_618, %dma_start3A_619] : memref<6x64x128xf32, #tpu.memory_space<vmem>> -> memref<1x64x128xf32, #tpu.memory_space<vmem>>
        %dma_start3A_621 = tpu.memref_squeeze %dma_start3A_620 : memref<1x64x128xf32, #tpu.memory_space<vmem>> -> memref<64x128xf32, #tpu.memory_space<vmem>>
        %dma_start3A_622 = arith.constant 0 : i32
        %dma_start3A_623 = tpu.memref_slice %arg2[%dma_start3A_622, %multiple_of3A_609] : memref<64x1000001xf32, #tpu.memory_space<hbm>> -> memref<64x128xf32, #tpu.memory_space<hbm>>
        tpu.enqueue_dma source(%dma_start3A_623 : memref<64x128xf32, #tpu.memory_space<hbm>>) target(%dma_start3A_621 : memref<64x128xf32, #tpu.memory_space<vmem>>) target_semaphore(%dma_start3A_617 : memref<!tpu.dma_semaphore, #tpu.memory_space<semaphore_mem>>)
      } else {
      }
      %while3A_581 = arith.constant 0 : i32
      scf.yield %while3A_581 : i32
    }
    %while3A_31 = arith.constant 1 : i32
    %while3A_32 = scf.for %while3A_542 = %while3A_28 to %while3A_24 step %while3A_31 iter_args(%while3A_543 = %while3A_30) -> (i32)  : i32 {
      %rem3A = arith.constant 6 : i32
      %rem3A_544 = arith.remsi %while3A_542, %rem3A : i32
      %dma_wait3A_545 = arith.constant 0 : i32
      %dma_wait3A_546 = arith.constant 0 : i32
      %dma_wait3A_547 = tpu.memref_slice %arg8[%rem3A_544, %dma_wait3A_545, %dma_wait3A_546] : memref<6x64x128xf32, #tpu.memory_space<vmem>> -> memref<1x64x128xf32, #tpu.memory_space<vmem>>
      %dma_wait3A_548 = tpu.memref_squeeze %dma_wait3A_547 : memref<1x64x128xf32, #tpu.memory_space<vmem>> -> memref<64x128xf32, #tpu.memory_space<vmem>>
      %dma_wait3A_549 = arith.constant 0 : i32
      %dma_wait3A_550 = arith.constant 0 : i32
      %dma_wait3A_551 = tpu.memref_slice %arg2[%dma_wait3A_549, %dma_wait3A_550] : memref<64x1000001xf32, #tpu.memory_space<hbm>> -> memref<64x128xf32, #tpu.memory_space<hbm>>
      %dma_wait3A_552 = tpu.memref_slice %arg11[%rem3A_544] : memref<6x!tpu.dma_semaphore, #tpu.memory_space<semaphore_mem>> -> memref<1x!tpu.dma_semaphore, #tpu.memory_space<semaphore_mem>>
      %dma_wait3A_553 = tpu.memref_squeeze %dma_wait3A_552 : memref<1x!tpu.dma_semaphore, #tpu.memory_space<semaphore_mem>> -> memref<!tpu.dma_semaphore, #tpu.memory_space<semaphore_mem>>
      %dma_wait3A_554 = arith.constant 0 : i32
      %dma_wait3A_555 = arith.constant 0 : i32
      %dma_wait3A_556 = tpu.memref_slice %arg8[%rem3A_544, %dma_wait3A_554, %dma_wait3A_555] : memref<6x64x128xf32, #tpu.memory_space<vmem>> -> memref<1x64x128xf32, #tpu.memory_space<vmem>>
      %dma_wait3A_557 = tpu.memref_squeeze %dma_wait3A_556 : memref<1x64x128xf32, #tpu.memory_space<vmem>> -> memref<64x128xf32, #tpu.memory_space<vmem>>
      %dma_wait3A_558 = arith.constant 0 : i32
      %dma_wait3A_559 = arith.constant 0 : i32
      %dma_wait3A_560 = tpu.memref_slice %arg2[%dma_wait3A_558, %dma_wait3A_559] : memref<64x1000001xf32, #tpu.memory_space<hbm>> -> memref<64x128xf32, #tpu.memory_space<hbm>>
      tpu.wait_dma2 semaphore(%dma_wait3A_553 : memref<!tpu.dma_semaphore, #tpu.memory_space<semaphore_mem>>) src(%dma_wait3A_560 : memref<64x128xf32, #tpu.memory_space<hbm>>) dst(%dma_wait3A_557 : memref<64x128xf32, #tpu.memory_space<vmem>>)
      %get3A_561 = arith.index_cast %while3A_542 : i32 to index
      %get3A_562 = memref.load %arg10[%get3A_561] : memref<544xi32, #tpu.memory_space<smem>>
      %add3A_563 = arith.constant 1 : i32
      %add3A_564 = arith.addi %while3A_542, %add3A_563 : i32
      %get3A_565 = arith.index_cast %add3A_564 : i32 to index
      %get3A_566 = memref.load %arg10[%get3A_565] : memref<544xi32, #tpu.memory_space<smem>>
      %while3A_567 = arith.constant 0 : i32
      %while3A_568 = arith.subi %get3A_566, %get3A_562 : i32
      %while3A_569 = arith.addi %get3A_562, %while3A_568 : i32
      %while3A_570 = arith.constant 1 : i32
      %while3A_571 = arith.divsi %while3A_568, %while3A_570 : i32
      %while3A_572 = arith.muli %while3A_571, %while3A_570 : i32
      %while3A_573 = arith.addi %get3A_562, %while3A_572 : i32
      %while3A_574 = arith.constant 1 : i32
      %while3A_575 = scf.for %while3A_582 = %get3A_562 to %while3A_573 step %while3A_574 iter_args(%while3A_583 = %while3A_567) -> (i32)  : i32 {
        %shift_right_arithmetic3A = arith.constant 4 : i32
        %shift_right_arithmetic3A_584 = arith.shrsi %while3A_582, %shift_right_arithmetic3A : i32
        %and3A = arith.constant 7 : i32
        %and3A_585 = arith.andi %shift_right_arithmetic3A_584, %and3A : i32
        %shift_right_arithmetic3A_586 = arith.constant 7 : i32
        %shift_right_arithmetic3A_587 = arith.shrsi %while3A_582, %shift_right_arithmetic3A_586 : i32
        %mul3A_588 = arith.constant 16 : i32
        %mul3A_589 = arith.muli %and3A_585, %mul3A_588 : i32
        %multiple_of3A = tpu.assume_multiple %mul3A_589, 16 : i32
        %get3A_590 = arith.index_cast %shift_right_arithmetic3A_587 : i32 to index
        %get3A_591 = arith.index_cast %multiple_of3A : i32 to index
        %get3A_592 = tpu.vector_load %arg6[%get3A_590, %get3A_591] {strides = array<i32>} : memref<4x128xi32, #tpu.memory_space<vmem>>, vector<16xi32>,
        %and3A_593 = arith.constant 15 : i32
        %and3A_594 = arith.andi %while3A_582, %and3A_593 : i32
        %broadcast_in_dim3A = vector.broadcast %and3A_594 : i32 to vector<16xi32>
        %broadcast_in_dim3A_595 = vector.shape_cast %broadcast_in_dim3A : vector<16xi32> to vector<16x1xi32>
        %gather3A = vector.shape_cast %broadcast_in_dim3A_595 : vector<16x1xi32> to vector<16xi32>
        %gather3A_596 = tpu.dynamic_gather %get3A_592[%gather3A] in [0] : vector<16xi32>, vector<16xi32> -> vector<16xi32>
        %and3A_597 = arith.constant 127 : i32
        %and3A_598 = vector.broadcast %and3A_597 : i32 to vector<16xi32>
        %and3A_599 = arith.andi %gather3A_596, %and3A_598 : vector<16xi32>
        %gather3A_600 = arith.constant 0 : i32
        %gather3A_601 = arith.constant 0 : i32
        %gather3A_602 = tpu.memref_slice %arg8[%rem3A_544, %gather3A_600, %gather3A_601] : memref<6x64x128xf32, #tpu.memory_space<vmem>> -> memref<1x64x128xf32, #tpu.memory_space<vmem>>
        %gather3A_603 = tpu.memref_squeeze %gather3A_602 : memref<1x64x128xf32, #tpu.memory_space<vmem>> -> memref<64x128xf32, #tpu.memory_space<vmem>>
        %gather3A_604 = tpu.vector_load_idx %gather3A_603[%add3A_12, %and3A_599] : memref<64x128xf32, #tpu.memory_space<vmem>>[vector<16xi32>, vector<16xi32>], vector<16xf32>,
        %swap3A_605 = arith.index_cast %while3A_582 : i32 to index
        %swap3A_606 = arith.constant 0 : index
        %swap3A_607 = tpu.vector_load %arg9[%swap3A_605, %swap3A_606] {strides = array<i32>} : memref<512x128xf32, #tpu.memory_space<vmem>>, vector<16xf32>,
        tpu.vector_store %arg9[%swap3A_605, %swap3A_606], %gather3A_604 {strides = array<i32>} : memref<512x128xf32, #tpu.memory_space<vmem>>, vector<16xf32>,
        %gather3A_608 = arith.constant 0 : i32
        %gather3A_609 = arith.constant 0 : i32
        %gather3A_610 = tpu.memref_slice %arg8[%rem3A_544, %gather3A_608, %gather3A_609] : memref<6x64x128xf32, #tpu.memory_space<vmem>> -> memref<1x64x128xf32, #tpu.memory_space<vmem>>
        %gather3A_611 = tpu.memref_squeeze %gather3A_610 : memref<1x64x128xf32, #tpu.memory_space<vmem>> -> memref<64x128xf32, #tpu.memory_space<vmem>>
        %gather3A_612 = tpu.vector_load_idx %gather3A_611[%add3A_15, %and3A_599] : memref<64x128xf32, #tpu.memory_space<vmem>>[vector<16xi32>, vector<16xi32>], vector<16xf32>,
        %swap3A_613 = arith.index_cast %while3A_582 : i32 to index
        %swap3A_614 = arith.constant 16 : index
        %swap3A_615 = tpu.vector_load %arg9[%swap3A_613, %swap3A_614] {strides = array<i32>} : memref<512x128xf32, #tpu.memory_space<vmem>>, vector<16xf32>,
        tpu.vector_store %arg9[%swap3A_613, %swap3A_614], %gather3A_612 {strides = array<i32>} : memref<512x128xf32, #tpu.memory_space<vmem>>, vector<16xf32>,
        %gather3A_616 = arith.constant 0 : i32
        %gather3A_617 = arith.constant 0 : i32
        %gather3A_618 = tpu.memref_slice %arg8[%rem3A_544, %gather3A_616, %gather3A_617] : memref<6x64x128xf32, #tpu.memory_space<vmem>> -> memref<1x64x128xf32, #tpu.memory_space<vmem>>
        %gather3A_619 = tpu.memref_squeeze %gather3A_618 : memref<1x64x128xf32, #tpu.memory_space<vmem>> -> memref<64x128xf32, #tpu.memory_space<vmem>>
        %gather3A_620 = tpu.vector_load_idx %gather3A_619[%add3A_18, %and3A_599] : memref<64x128xf32, #tpu.memory_space<vmem>>[vector<16xi32>, vector<16xi32>], vector<16xf32>,
        %swap3A_621 = arith.index_cast %while3A_582 : i32 to index
        %swap3A_622 = arith.constant 32 : index
        %swap3A_623 = tpu.vector_load %arg9[%swap3A_621, %swap3A_622] {strides = array<i32>} : memref<512x128xf32, #tpu.memory_space<vmem>>, vector<16xf32>,
        tpu.vector_store %arg9[%swap3A_621, %swap3A_622], %gather3A_620 {strides = array<i32>} : memref<512x128xf32, #tpu.memory_space<vmem>>, vector<16xf32>,
        %gather3A_624 = arith.constant 0 : i32
        %gather3A_625 = arith.constant 0 : i32
        %gather3A_626 = tpu.memref_slice %arg8[%rem3A_544, %gather3A_624, %gather3A_625] : memref<6x64x128xf32, #tpu.memory_space<vmem>> -> memref<1x64x128xf32, #tpu.memory_space<vmem>>
        %gather3A_627 = tpu.memref_squeeze %gather3A_626 : memref<1x64x128xf32, #tpu.memory_space<vmem>> -> memref<64x128xf32, #tpu.memory_space<vmem>>
        %gather3A_628 = tpu.vector_load_idx %gather3A_627[%add3A_21, %and3A_599] : memref<64x128xf32, #tpu.memory_space<vmem>>[vector<16xi32>, vector<16xi32>], vector<16xf32>,
        %swap3A_629 = arith.index_cast %while3A_582 : i32 to index
        %swap3A_630 = arith.constant 48 : index
        %swap3A_631 = tpu.vector_load %arg9[%swap3A_629, %swap3A_630] {strides = array<i32>} : memref<512x128xf32, #tpu.memory_space<vmem>>, vector<16xf32>,
        tpu.vector_store %arg9[%swap3A_629, %swap3A_630], %gather3A_628 {strides = array<i32>} : memref<512x128xf32, #tpu.memory_space<vmem>>, vector<16xf32>,
        %while3A_632 = arith.constant 0 : i32
        scf.yield %while3A_632 : i32
      }
      %while3A_576 = arith.constant 1 : i32
      %while3A_577 = scf.for %while3A_582 = %while3A_573 to %while3A_569 step %while3A_576 iter_args(%while3A_583 = %while3A_575) -> (i32)  : i32 {
        %shift_right_arithmetic3A = arith.constant 4 : i32
        %shift_right_arithmetic3A_584 = arith.shrsi %while3A_582, %shift_right_arithmetic3A : i32
        %and3A = arith.constant 7 : i32
        %and3A_585 = arith.andi %shift_right_arithmetic3A_584, %and3A : i32
        %shift_right_arithmetic3A_586 = arith.constant 7 : i32
        %shift_right_arithmetic3A_587 = arith.shrsi %while3A_582, %shift_right_arithmetic3A_586 : i32
        %mul3A_588 = arith.constant 16 : i32
        %mul3A_589 = arith.muli %and3A_585, %mul3A_588 : i32
        %multiple_of3A = tpu.assume_multiple %mul3A_589, 16 : i32
        %get3A_590 = arith.index_cast %shift_right_arithmetic3A_587 : i32 to index
        %get3A_591 = arith.index_cast %multiple_of3A : i32 to index
        %get3A_592 = tpu.vector_load %arg6[%get3A_590, %get3A_591] {strides = array<i32>} : memref<4x128xi32, #tpu.memory_space<vmem>>, vector<16xi32>,
        %and3A_593 = arith.constant 15 : i32
        %and3A_594 = arith.andi %while3A_582, %and3A_593 : i32
        %broadcast_in_dim3A = vector.broadcast %and3A_594 : i32 to vector<16xi32>
        %broadcast_in_dim3A_595 = vector.shape_cast %broadcast_in_dim3A : vector<16xi32> to vector<16x1xi32>
        %gather3A = vector.shape_cast %broadcast_in_dim3A_595 : vector<16x1xi32> to vector<16xi32>
        %gather3A_596 = tpu.dynamic_gather %get3A_592[%gather3A] in [0] : vector<16xi32>, vector<16xi32> -> vector<16xi32>
        %and3A_597 = arith.constant 127 : i32
        %and3A_598 = vector.broadcast %and3A_597 : i32 to vector<16xi32>
        %and3A_599 = arith.andi %gather3A_596, %and3A_598 : vector<16xi32>
        %gather3A_600 = arith.constant 0 : i32
        %gather3A_601 = arith.constant 0 : i32
        %gather3A_602 = tpu.memref_slice %arg8[%rem3A_544, %gather3A_600, %gather3A_601] : memref<6x64x128xf32, #tpu.memory_space<vmem>> -> memref<1x64x128xf32, #tpu.memory_space<vmem>>
        %gather3A_603 = tpu.memref_squeeze %gather3A_602 : memref<1x64x128xf32, #tpu.memory_space<vmem>> -> memref<64x128xf32, #tpu.memory_space<vmem>>
        %gather3A_604 = tpu.vector_load_idx %gather3A_603[%add3A_12, %and3A_599] : memref<64x128xf32, #tpu.memory_space<vmem>>[vector<16xi32>, vector<16xi32>], vector<16xf32>,
        %swap3A_605 = arith.index_cast %while3A_582 : i32 to index
        %swap3A_606 = arith.constant 0 : index
        %swap3A_607 = tpu.vector_load %arg9[%swap3A_605, %swap3A_606] {strides = array<i32>} : memref<512x128xf32, #tpu.memory_space<vmem>>, vector<16xf32>,
        tpu.vector_store %arg9[%swap3A_605, %swap3A_606], %gather3A_604 {strides = array<i32>} : memref<512x128xf32, #tpu.memory_space<vmem>>, vector<16xf32>,
        %gather3A_608 = arith.constant 0 : i32
        %gather3A_609 = arith.constant 0 : i32
        %gather3A_610 = tpu.memref_slice %arg8[%rem3A_544, %gather3A_608, %gather3A_609] : memref<6x64x128xf32, #tpu.memory_space<vmem>> -> memref<1x64x128xf32, #tpu.memory_space<vmem>>
        %gather3A_611 = tpu.memref_squeeze %gather3A_610 : memref<1x64x128xf32, #tpu.memory_space<vmem>> -> memref<64x128xf32, #tpu.memory_space<vmem>>
        %gather3A_612 = tpu.vector_load_idx %gather3A_611[%add3A_15, %and3A_599] : memref<64x128xf32, #tpu.memory_space<vmem>>[vector<16xi32>, vector<16xi32>], vector<16xf32>,
        %swap3A_613 = arith.index_cast %while3A_582 : i32 to index
        %swap3A_614 = arith.constant 16 : index
        %swap3A_615 = tpu.vector_load %arg9[%swap3A_613, %swap3A_614] {strides = array<i32>} : memref<512x128xf32, #tpu.memory_space<vmem>>, vector<16xf32>,
        tpu.vector_store %arg9[%swap3A_613, %swap3A_614], %gather3A_612 {strides = array<i32>} : memref<512x128xf32, #tpu.memory_space<vmem>>, vector<16xf32>,
        %gather3A_616 = arith.constant 0 : i32
        %gather3A_617 = arith.constant 0 : i32
        %gather3A_618 = tpu.memref_slice %arg8[%rem3A_544, %gather3A_616, %gather3A_617] : memref<6x64x128xf32, #tpu.memory_space<vmem>> -> memref<1x64x128xf32, #tpu.memory_space<vmem>>
        %gather3A_619 = tpu.memref_squeeze %gather3A_618 : memref<1x64x128xf32, #tpu.memory_space<vmem>> -> memref<64x128xf32, #tpu.memory_space<vmem>>
        %gather3A_620 = tpu.vector_load_idx %gather3A_619[%add3A_18, %and3A_599] : memref<64x128xf32, #tpu.memory_space<vmem>>[vector<16xi32>, vector<16xi32>], vector<16xf32>,
        %swap3A_621 = arith.index_cast %while3A_582 : i32 to index
        %swap3A_622 = arith.constant 32 : index
        %swap3A_623 = tpu.vector_load %arg9[%swap3A_621, %swap3A_622] {strides = array<i32>} : memref<512x128xf32, #tpu.memory_space<vmem>>, vector<16xf32>,
        tpu.vector_store %arg9[%swap3A_621, %swap3A_622], %gather3A_620 {strides = array<i32>} : memref<512x128xf32, #tpu.memory_space<vmem>>, vector<16xf32>,
        %gather3A_624 = arith.constant 0 : i32
        %gather3A_625 = arith.constant 0 : i32
        %gather3A_626 = tpu.memref_slice %arg8[%rem3A_544, %gather3A_624, %gather3A_625] : memref<6x64x128xf32, #tpu.memory_space<vmem>> -> memref<1x64x128xf32, #tpu.memory_space<vmem>>
        %gather3A_627 = tpu.memref_squeeze %gather3A_626 : memref<1x64x128xf32, #tpu.memory_space<vmem>> -> memref<64x128xf32, #tpu.memory_space<vmem>>
        %gather3A_628 = tpu.vector_load_idx %gather3A_627[%add3A_21, %and3A_599] : memref<64x128xf32, #tpu.memory_space<vmem>>[vector<16xi32>, vector<16xi32>], vector<16xf32>,
        %swap3A_629 = arith.index_cast %while3A_582 : i32 to index
        %swap3A_630 = arith.constant 48 : index
        %swap3A_631 = tpu.vector_load %arg9[%swap3A_629, %swap3A_630] {strides = array<i32>} : memref<512x128xf32, #tpu.memory_space<vmem>>, vector<16xf32>,
        tpu.vector_store %arg9[%swap3A_629, %swap3A_630], %gather3A_628 {strides = array<i32>} : memref<512x128xf32, #tpu.memory_space<vmem>>, vector<16xf32>,
        %while3A_632 = arith.constant 0 : i32
        scf.yield %while3A_632 : i32
      }
      %add3A_578 = arith.constant 6 : i32
      %add3A_579 = arith.addi %while3A_542, %add3A_578 : i32
      %lt3A = arith.cmpi slt, %add3A_579, %scan3A_6#0 : i32
      %convert_element_type3A = arith.extui %lt3A : i1 to i32
      %cond3A = arith.constant 0 : i32
      %cond3A_580 = arith.cmpi ne, %convert_element_type3A, %cond3A : i32
      scf.if %cond3A_580 {
        %add3A_582 = arith.constant 6 : i32
        %add3A_583 = arith.addi %while3A_542, %add3A_582 : i32
        %get3A_584 = arith.index_cast %add3A_583 : i32 to index
        %get3A_585 = memref.load %arg10[%get3A_584] : memref<544xi32, #tpu.memory_space<smem>>
        %eq3A = arith.constant 0 : i32
        %eq3A_586 = vector.broadcast %eq3A : i32 to vector<16xi32>
        %eq3A_587 = arith.cmpi eq, %iota3A, %eq3A_586 : vector<16xi32>
        %shift_right_arithmetic3A = arith.constant 4 : i32
        %shift_right_arithmetic3A_588 = arith.shrsi %get3A_585, %shift_right_arithmetic3A : i32
        %and3A = arith.constant 7 : i32
        %and3A_589 = arith.andi %shift_right_arithmetic3A_588, %and3A : i32
        %shift_right_arithmetic3A_590 = arith.constant 7 : i32
        %shift_right_arithmetic3A_591 = arith.shrsi %get3A_585, %shift_right_arithmetic3A_590 : i32
        %mul3A_592 = arith.constant 16 : i32
        %mul3A_593 = arith.muli %and3A_589, %mul3A_592 : i32
        %multiple_of3A = tpu.assume_multiple %mul3A_593, 16 : i32
        %get3A_594 = arith.index_cast %shift_right_arithmetic3A_591 : i32 to index
        %get3A_595 = arith.index_cast %multiple_of3A : i32 to index
        %get3A_596 = tpu.vector_load %arg6[%get3A_594, %get3A_595] {strides = array<i32>} : memref<4x128xi32, #tpu.memory_space<vmem>>, vector<16xi32>,
        %and3A_597 = arith.constant 15 : i32
        %and3A_598 = arith.andi %get3A_585, %and3A_597 : i32
        %broadcast_in_dim3A = vector.broadcast %and3A_598 : i32 to vector<16xi32>
        %broadcast_in_dim3A_599 = vector.shape_cast %broadcast_in_dim3A : vector<16xi32> to vector<16x1xi32>
        %gather3A = vector.shape_cast %broadcast_in_dim3A_599 : vector<16x1xi32> to vector<16xi32>
        %gather3A_600 = tpu.dynamic_gather %get3A_596[%gather3A] in [0] : vector<16xi32>, vector<16xi32> -> vector<16xi32>
        %jit3A = arith.constant 0 : i32
        %broadcast_in_dim3A_601 = vector.broadcast %jit3A : i32 to vector<16xi32>
        %select_n3A = arith.select %eq3A_587, %gather3A_600, %broadcast_in_dim3A_601 : vector<16xi1>, vector<16xi32>
        %reduce_sum3A = arith.constant true
        %reduce_sum3A_602 = vector.broadcast %reduce_sum3A : i1 to vector<16xi1>
        %reduce_sum3A_603 = tpu.scan <sum>, %select_n3A masked %reduce_sum3A_602 : vector<16xi32>, vector<16xi1> -> vector<16xi32>
        %reduce_sum3A_604 = vector.extract %reduce_sum3A_603[15] : i32 from vector<16xi32>
        %shift_right_arithmetic3A_605 = arith.constant 7 : i32
        %shift_right_arithmetic3A_606 = arith.shrsi %reduce_sum3A_604, %shift_right_arithmetic3A_605 : i32
        %mul3A_607 = arith.constant 128 : i32
        %mul3A_608 = arith.muli %shift_right_arithmetic3A_606, %mul3A_607 : i32
        %multiple_of3A_609 = tpu.assume_multiple %mul3A_608, 128 : i32
        %dma_start3A_610 = arith.constant 0 : i32
        %dma_start3A_611 = arith.constant 0 : i32
        %dma_start3A_612 = tpu.memref_slice %arg8[%rem3A_544, %dma_start3A_610, %dma_start3A_611] : memref<6x64x128xf32, #tpu.memory_space<vmem>> -> memref<1x64x128xf32, #tpu.memory_space<vmem>>
        %dma_start3A_613 = tpu.memref_squeeze %dma_start3A_612 : memref<1x64x128xf32, #tpu.memory_space<vmem>> -> memref<64x128xf32, #tpu.memory_space<vmem>>
        %dma_start3A_614 = arith.constant 0 : i32
        %dma_start3A_615 = tpu.memref_slice %arg2[%dma_start3A_614, %multiple_of3A_609] : memref<64x1000001xf32, #tpu.memory_space<hbm>> -> memref<64x128xf32, #tpu.memory_space<hbm>>
        %dma_start3A_616 = tpu.memref_slice %arg11[%rem3A_544] : memref<6x!tpu.dma_semaphore, #tpu.memory_space<semaphore_mem>> -> memref<1x!tpu.dma_semaphore, #tpu.memory_space<semaphore_mem>>
        %dma_start3A_617 = tpu.memref_squeeze %dma_start3A_616 : memref<1x!tpu.dma_semaphore, #tpu.memory_space<semaphore_mem>> -> memref<!tpu.dma_semaphore, #tpu.memory_space<semaphore_mem>>
        %dma_start3A_618 = arith.constant 0 : i32
        %dma_start3A_619 = arith.constant 0 : i32
        %dma_start3A_620 = tpu.memref_slice %arg8[%rem3A_544, %dma_start3A_618, %dma_start3A_619] : memref<6x64x128xf32, #tpu.memory_space<vmem>> -> memref<1x64x128xf32, #tpu.memory_space<vmem>>
        %dma_start3A_621 = tpu.memref_squeeze %dma_start3A_620 : memref<1x64x128xf32, #tpu.memory_space<vmem>> -> memref<64x128xf32, #tpu.memory_space<vmem>>
        %dma_start3A_622 = arith.constant 0 : i32
        %dma_start3A_623 = tpu.memref_slice %arg2[%dma_start3A_622, %multiple_of3A_609] : memref<64x1000001xf32, #tpu.memory_space<hbm>> -> memref<64x128xf32, #tpu.memory_space<hbm>>
        tpu.enqueue_dma source(%dma_start3A_623 : memref<64x128xf32, #tpu.memory_space<hbm>>) target(%dma_start3A_621 : memref<64x128xf32, #tpu.memory_space<vmem>>) target_semaphore(%dma_start3A_617 : memref<!tpu.dma_semaphore, #tpu.memory_space<semaphore_mem>>)
      } else {
      }
      %while3A_581 = arith.constant 0 : i32
      scf.yield %while3A_581 : i32
    }
    %get3A = arith.constant 0 : i32
    %get3A_33 = arith.index_cast %get3A : i32 to index
    %get3A_34 = arith.constant 0 : index
    %get3A_35 = tpu.vector_load %arg7[%get3A_33, %get3A_34] {strides = array<i32>} : memref<4x128xi32, #tpu.memory_space<vmem>>, vector<16xi32>,
    %dma_start3A = arith.constant 0 : i32
    %dma_start3A_36 = arith.constant 0 : i32
    %dma_start3A_37 = tpu.memref_slice %arg9[%dma_start3A, %dma_start3A_36] : memref<512x128xf32, #tpu.memory_space<vmem>> -> memref<16x128xf32, #tpu.memory_space<vmem>>
    %dma_start3A_38 = arith.constant 0 : i32
    %dma_start3A_39 = arith.constant 0 : i32
    %dma_start3A_40 = tpu.memref_slice %arg5[%dma_start3A_38, %dma_start3A_39] : memref<16384x128xf32, #tpu.memory_space<hbm>> -> memref<16384x128xf32, #tpu.memory_space<hbm>>
    tpu.enqueue_indirect_dma source(%dma_start3A_37 : memref<16x128xf32, #tpu.memory_space<vmem>>) target(%dma_start3A_40 : memref<16384x128xf32, #tpu.memory_space<hbm>>) offsets(%get3A_35 : vector<16xi32>) semaphore(%arg12 : memref<!tpu.dma_semaphore, #tpu.memory_space<semaphore_mem>>)
    %get3A_41 = arith.constant 0 : i32
    %get3A_42 = arith.index_cast %get3A_41 : i32 to index
    %get3A_43 = arith.constant 16 : index
    %get3A_44 = tpu.vector_load %arg7[%get3A_42, %get3A_43] {strides = array<i32>} : memref<4x128xi32, #tpu.memory_space<vmem>>, vector<16xi32>,
    %dma_start3A_45 = arith.constant 16 : i32
    %dma_start3A_46 = arith.constant 0 : i32
    %dma_start3A_47 = tpu.memref_slice %arg9[%dma_start3A_45, %dma_start3A_46] : memref<512x128xf32, #tpu.memory_space<vmem>> -> memref<16x128xf32, #tpu.memory_space<vmem>>
    %dma_start3A_48 = arith.constant 0 : i32
    %dma_start3A_49 = arith.constant 0 : i32
    %dma_start3A_50 = tpu.memref_slice %arg5[%dma_start3A_48, %dma_start3A_49] : memref<16384x128xf32, #tpu.memory_space<hbm>> -> memref<16384x128xf32, #tpu.memory_space<hbm>>
    tpu.enqueue_indirect_dma source(%dma_start3A_47 : memref<16x128xf32, #tpu.memory_space<vmem>>) target(%dma_start3A_50 : memref<16384x128xf32, #tpu.memory_space<hbm>>) offsets(%get3A_44 : vector<16xi32>) semaphore(%arg12 : memref<!tpu.dma_semaphore, #tpu.memory_space<semaphore_mem>>)
    %get3A_51 = arith.constant 0 : i32
    %get3A_52 = arith.index_cast %get3A_51 : i32 to index
    %get3A_53 = arith.constant 32 : index
    %get3A_54 = tpu.vector_load %arg7[%get3A_52, %get3A_53] {strides = array<i32>} : memref<4x128xi32, #tpu.memory_space<vmem>>, vector<16xi32>,
    %dma_start3A_55 = arith.constant 32 : i32
    %dma_start3A_56 = arith.constant 0 : i32
    %dma_start3A_57 = tpu.memref_slice %arg9[%dma_start3A_55, %dma_start3A_56] : memref<512x128xf32, #tpu.memory_space<vmem>> -> memref<16x128xf32, #tpu.memory_space<vmem>>
    %dma_start3A_58 = arith.constant 0 : i32
    %dma_start3A_59 = arith.constant 0 : i32
    %dma_start3A_60 = tpu.memref_slice %arg5[%dma_start3A_58, %dma_start3A_59] : memref<16384x128xf32, #tpu.memory_space<hbm>> -> memref<16384x128xf32, #tpu.memory_space<hbm>>
    tpu.enqueue_indirect_dma source(%dma_start3A_57 : memref<16x128xf32, #tpu.memory_space<vmem>>) target(%dma_start3A_60 : memref<16384x128xf32, #tpu.memory_space<hbm>>) offsets(%get3A_54 : vector<16xi32>) semaphore(%arg12 : memref<!tpu.dma_semaphore, #tpu.memory_space<semaphore_mem>>)
    %get3A_61 = arith.constant 0 : i32
    %get3A_62 = arith.index_cast %get3A_61 : i32 to index
    %get3A_63 = arith.constant 48 : index
    %get3A_64 = tpu.vector_load %arg7[%get3A_62, %get3A_63] {strides = array<i32>} : memref<4x128xi32, #tpu.memory_space<vmem>>, vector<16xi32>,
    %dma_start3A_65 = arith.constant 48 : i32
    %dma_start3A_66 = arith.constant 0 : i32
    %dma_start3A_67 = tpu.memref_slice %arg9[%dma_start3A_65, %dma_start3A_66] : memref<512x128xf32, #tpu.memory_space<vmem>> -> memref<16x128xf32, #tpu.memory_space<vmem>>
    %dma_start3A_68 = arith.constant 0 : i32
    %dma_start3A_69 = arith.constant 0 : i32
    %dma_start3A_70 = tpu.memref_slice %arg5[%dma_start3A_68, %dma_start3A_69] : memref<16384x128xf32, #tpu.memory_space<hbm>> -> memref<16384x128xf32, #tpu.memory_space<hbm>>
    tpu.enqueue_indirect_dma source(%dma_start3A_67 : memref<16x128xf32, #tpu.memory_space<vmem>>) target(%dma_start3A_70 : memref<16384x128xf32, #tpu.memory_space<hbm>>) offsets(%get3A_64 : vector<16xi32>) semaphore(%arg12 : memref<!tpu.dma_semaphore, #tpu.memory_space<semaphore_mem>>)
    %get3A_71 = arith.constant 0 : i32
    %get3A_72 = arith.index_cast %get3A_71 : i32 to index
    %get3A_73 = arith.constant 64 : index
    %get3A_74 = tpu.vector_load %arg7[%get3A_72, %get3A_73] {strides = array<i32>} : memref<4x128xi32, #tpu.memory_space<vmem>>, vector<16xi32>,
    %dma_start3A_75 = arith.constant 64 : i32
    %dma_start3A_76 = arith.constant 0 : i32
    %dma_start3A_77 = tpu.memref_slice %arg9[%dma_start3A_75, %dma_start3A_76] : memref<512x128xf32, #tpu.memory_space<vmem>> -> memref<16x128xf32, #tpu.memory_space<vmem>>
    %dma_start3A_78 = arith.constant 0 : i32
    %dma_start3A_79 = arith.constant 0 : i32
    %dma_start3A_80 = tpu.memref_slice %arg5[%dma_start3A_78, %dma_start3A_79] : memref<16384x128xf32, #tpu.memory_space<hbm>> -> memref<16384x128xf32, #tpu.memory_space<hbm>>
    tpu.enqueue_indirect_dma source(%dma_start3A_77 : memref<16x128xf32, #tpu.memory_space<vmem>>) target(%dma_start3A_80 : memref<16384x128xf32, #tpu.memory_space<hbm>>) offsets(%get3A_74 : vector<16xi32>) semaphore(%arg12 : memref<!tpu.dma_semaphore, #tpu.memory_space<semaphore_mem>>)
    %get3A_81 = arith.constant 0 : i32
    %get3A_82 = arith.index_cast %get3A_81 : i32 to index
    %get3A_83 = arith.constant 80 : index
    %get3A_84 = tpu.vector_load %arg7[%get3A_82, %get3A_83] {strides = array<i32>} : memref<4x128xi32, #tpu.memory_space<vmem>>, vector<16xi32>,
    %dma_start3A_85 = arith.constant 80 : i32
    %dma_start3A_86 = arith.constant 0 : i32
    %dma_start3A_87 = tpu.memref_slice %arg9[%dma_start3A_85, %dma_start3A_86] : memref<512x128xf32, #tpu.memory_space<vmem>> -> memref<16x128xf32, #tpu.memory_space<vmem>>
    %dma_start3A_88 = arith.constant 0 : i32
    %dma_start3A_89 = arith.constant 0 : i32
    %dma_start3A_90 = tpu.memref_slice %arg5[%dma_start3A_88, %dma_start3A_89] : memref<16384x128xf32, #tpu.memory_space<hbm>> -> memref<16384x128xf32, #tpu.memory_space<hbm>>
    tpu.enqueue_indirect_dma source(%dma_start3A_87 : memref<16x128xf32, #tpu.memory_space<vmem>>) target(%dma_start3A_90 : memref<16384x128xf32, #tpu.memory_space<hbm>>) offsets(%get3A_84 : vector<16xi32>) semaphore(%arg12 : memref<!tpu.dma_semaphore, #tpu.memory_space<semaphore_mem>>)
    %get3A_91 = arith.constant 0 : i32
    %get3A_92 = arith.index_cast %get3A_91 : i32 to index
    %get3A_93 = arith.constant 96 : index
    %get3A_94 = tpu.vector_load %arg7[%get3A_92, %get3A_93] {strides = array<i32>} : memref<4x128xi32, #tpu.memory_space<vmem>>, vector<16xi32>,
    %dma_start3A_95 = arith.constant 96 : i32
    %dma_start3A_96 = arith.constant 0 : i32
    %dma_start3A_97 = tpu.memref_slice %arg9[%dma_start3A_95, %dma_start3A_96] : memref<512x128xf32, #tpu.memory_space<vmem>> -> memref<16x128xf32, #tpu.memory_space<vmem>>
    %dma_start3A_98 = arith.constant 0 : i32
    %dma_start3A_99 = arith.constant 0 : i32
    %dma_start3A_100 = tpu.memref_slice %arg5[%dma_start3A_98, %dma_start3A_99] : memref<16384x128xf32, #tpu.memory_space<hbm>> -> memref<16384x128xf32, #tpu.memory_space<hbm>>
    tpu.enqueue_indirect_dma source(%dma_start3A_97 : memref<16x128xf32, #tpu.memory_space<vmem>>) target(%dma_start3A_100 : memref<16384x128xf32, #tpu.memory_space<hbm>>) offsets(%get3A_94 : vector<16xi32>) semaphore(%arg12 : memref<!tpu.dma_semaphore, #tpu.memory_space<semaphore_mem>>)
    %get3A_101 = arith.constant 0 : i32
    %get3A_102 = arith.index_cast %get3A_101 : i32 to index
    %get3A_103 = arith.constant 112 : index
    %get3A_104 = tpu.vector_load %arg7[%get3A_102, %get3A_103] {strides = array<i32>} : memref<4x128xi32, #tpu.memory_space<vmem>>, vector<16xi32>,
    %dma_start3A_105 = arith.constant 112 : i32
    %dma_start3A_106 = arith.constant 0 : i32
    %dma_start3A_107 = tpu.memref_slice %arg9[%dma_start3A_105, %dma_start3A_106] : memref<512x128xf32, #tpu.memory_space<vmem>> -> memref<16x128xf32, #tpu.memory_space<vmem>>
    %dma_start3A_108 = arith.constant 0 : i32
    %dma_start3A_109 = arith.constant 0 : i32
    %dma_start3A_110 = tpu.memref_slice %arg5[%dma_start3A_108, %dma_start3A_109] : memref<16384x128xf32, #tpu.memory_space<hbm>> -> memref<16384x128xf32, #tpu.memory_space<hbm>>
    tpu.enqueue_indirect_dma source(%dma_start3A_107 : memref<16x128xf32, #tpu.memory_space<vmem>>) target(%dma_start3A_110 : memref<16384x128xf32, #tpu.memory_space<hbm>>) offsets(%get3A_104 : vector<16xi32>) semaphore(%arg12 : memref<!tpu.dma_semaphore, #tpu.memory_space<semaphore_mem>>)
    %get3A_111 = arith.constant 1 : i32
    %get3A_112 = arith.index_cast %get3A_111 : i32 to index
    %get3A_113 = arith.constant 0 : index
    %get3A_114 = tpu.vector_load %arg7[%get3A_112, %get3A_113] {strides = array<i32>} : memref<4x128xi32, #tpu.memory_space<vmem>>, vector<16xi32>,
    %dma_start3A_115 = arith.constant 128 : i32
    %dma_start3A_116 = arith.constant 0 : i32
    %dma_start3A_117 = tpu.memref_slice %arg9[%dma_start3A_115, %dma_start3A_116] : memref<512x128xf32, #tpu.memory_space<vmem>> -> memref<16x128xf32, #tpu.memory_space<vmem>>
    %dma_start3A_118 = arith.constant 0 : i32
    %dma_start3A_119 = arith.constant 0 : i32
    %dma_start3A_120 = tpu.memref_slice %arg5[%dma_start3A_118, %dma_start3A_119] : memref<16384x128xf32, #tpu.memory_space<hbm>> -> memref<16384x128xf32, #tpu.memory_space<hbm>>
    tpu.enqueue_indirect_dma source(%dma_start3A_117 : memref<16x128xf32, #tpu.memory_space<vmem>>) target(%dma_start3A_120 : memref<16384x128xf32, #tpu.memory_space<hbm>>) offsets(%get3A_114 : vector<16xi32>) semaphore(%arg12 : memref<!tpu.dma_semaphore, #tpu.memory_space<semaphore_mem>>)
    %get3A_121 = arith.constant 1 : i32
    %get3A_122 = arith.index_cast %get3A_121 : i32 to index
    %get3A_123 = arith.constant 16 : index
    %get3A_124 = tpu.vector_load %arg7[%get3A_122, %get3A_123] {strides = array<i32>} : memref<4x128xi32, #tpu.memory_space<vmem>>, vector<16xi32>,
    %dma_start3A_125 = arith.constant 144 : i32
    %dma_start3A_126 = arith.constant 0 : i32
    %dma_start3A_127 = tpu.memref_slice %arg9[%dma_start3A_125, %dma_start3A_126] : memref<512x128xf32, #tpu.memory_space<vmem>> -> memref<16x128xf32, #tpu.memory_space<vmem>>
    %dma_start3A_128 = arith.constant 0 : i32
    %dma_start3A_129 = arith.constant 0 : i32
    %dma_start3A_130 = tpu.memref_slice %arg5[%dma_start3A_128, %dma_start3A_129] : memref<16384x128xf32, #tpu.memory_space<hbm>> -> memref<16384x128xf32, #tpu.memory_space<hbm>>
    tpu.enqueue_indirect_dma source(%dma_start3A_127 : memref<16x128xf32, #tpu.memory_space<vmem>>) target(%dma_start3A_130 : memref<16384x128xf32, #tpu.memory_space<hbm>>) offsets(%get3A_124 : vector<16xi32>) semaphore(%arg12 : memref<!tpu.dma_semaphore, #tpu.memory_space<semaphore_mem>>)
    %get3A_131 = arith.constant 1 : i32
    %get3A_132 = arith.index_cast %get3A_131 : i32 to index
    %get3A_133 = arith.constant 32 : index
    %get3A_134 = tpu.vector_load %arg7[%get3A_132, %get3A_133] {strides = array<i32>} : memref<4x128xi32, #tpu.memory_space<vmem>>, vector<16xi32>,
    %dma_start3A_135 = arith.constant 160 : i32
    %dma_start3A_136 = arith.constant 0 : i32
    %dma_start3A_137 = tpu.memref_slice %arg9[%dma_start3A_135, %dma_start3A_136] : memref<512x128xf32, #tpu.memory_space<vmem>> -> memref<16x128xf32, #tpu.memory_space<vmem>>
    %dma_start3A_138 = arith.constant 0 : i32
    %dma_start3A_139 = arith.constant 0 : i32
    %dma_start3A_140 = tpu.memref_slice %arg5[%dma_start3A_138, %dma_start3A_139] : memref<16384x128xf32, #tpu.memory_space<hbm>> -> memref<16384x128xf32, #tpu.memory_space<hbm>>
    tpu.enqueue_indirect_dma source(%dma_start3A_137 : memref<16x128xf32, #tpu.memory_space<vmem>>) target(%dma_start3A_140 : memref<16384x128xf32, #tpu.memory_space<hbm>>) offsets(%get3A_134 : vector<16xi32>) semaphore(%arg12 : memref<!tpu.dma_semaphore, #tpu.memory_space<semaphore_mem>>)
    %get3A_141 = arith.constant 1 : i32
    %get3A_142 = arith.index_cast %get3A_141 : i32 to index
    %get3A_143 = arith.constant 48 : index
    %get3A_144 = tpu.vector_load %arg7[%get3A_142, %get3A_143] {strides = array<i32>} : memref<4x128xi32, #tpu.memory_space<vmem>>, vector<16xi32>,
    %dma_start3A_145 = arith.constant 176 : i32
    %dma_start3A_146 = arith.constant 0 : i32
    %dma_start3A_147 = tpu.memref_slice %arg9[%dma_start3A_145, %dma_start3A_146] : memref<512x128xf32, #tpu.memory_space<vmem>> -> memref<16x128xf32, #tpu.memory_space<vmem>>
    %dma_start3A_148 = arith.constant 0 : i32
    %dma_start3A_149 = arith.constant 0 : i32
    %dma_start3A_150 = tpu.memref_slice %arg5[%dma_start3A_148, %dma_start3A_149] : memref<16384x128xf32, #tpu.memory_space<hbm>> -> memref<16384x128xf32, #tpu.memory_space<hbm>>
    tpu.enqueue_indirect_dma source(%dma_start3A_147 : memref<16x128xf32, #tpu.memory_space<vmem>>) target(%dma_start3A_150 : memref<16384x128xf32, #tpu.memory_space<hbm>>) offsets(%get3A_144 : vector<16xi32>) semaphore(%arg12 : memref<!tpu.dma_semaphore, #tpu.memory_space<semaphore_mem>>)
    %get3A_151 = arith.constant 1 : i32
    %get3A_152 = arith.index_cast %get3A_151 : i32 to index
    %get3A_153 = arith.constant 64 : index
    %get3A_154 = tpu.vector_load %arg7[%get3A_152, %get3A_153] {strides = array<i32>} : memref<4x128xi32, #tpu.memory_space<vmem>>, vector<16xi32>,
    %dma_start3A_155 = arith.constant 192 : i32
    %dma_start3A_156 = arith.constant 0 : i32
    %dma_start3A_157 = tpu.memref_slice %arg9[%dma_start3A_155, %dma_start3A_156] : memref<512x128xf32, #tpu.memory_space<vmem>> -> memref<16x128xf32, #tpu.memory_space<vmem>>
    %dma_start3A_158 = arith.constant 0 : i32
    %dma_start3A_159 = arith.constant 0 : i32
    %dma_start3A_160 = tpu.memref_slice %arg5[%dma_start3A_158, %dma_start3A_159] : memref<16384x128xf32, #tpu.memory_space<hbm>> -> memref<16384x128xf32, #tpu.memory_space<hbm>>
    tpu.enqueue_indirect_dma source(%dma_start3A_157 : memref<16x128xf32, #tpu.memory_space<vmem>>) target(%dma_start3A_160 : memref<16384x128xf32, #tpu.memory_space<hbm>>) offsets(%get3A_154 : vector<16xi32>) semaphore(%arg12 : memref<!tpu.dma_semaphore, #tpu.memory_space<semaphore_mem>>)
    %get3A_161 = arith.constant 1 : i32
    %get3A_162 = arith.index_cast %get3A_161 : i32 to index
    %get3A_163 = arith.constant 80 : index
    %get3A_164 = tpu.vector_load %arg7[%get3A_162, %get3A_163] {strides = array<i32>} : memref<4x128xi32, #tpu.memory_space<vmem>>, vector<16xi32>,
    %dma_start3A_165 = arith.constant 208 : i32
    %dma_start3A_166 = arith.constant 0 : i32
    %dma_start3A_167 = tpu.memref_slice %arg9[%dma_start3A_165, %dma_start3A_166] : memref<512x128xf32, #tpu.memory_space<vmem>> -> memref<16x128xf32, #tpu.memory_space<vmem>>
    %dma_start3A_168 = arith.constant 0 : i32
    %dma_start3A_169 = arith.constant 0 : i32
    %dma_start3A_170 = tpu.memref_slice %arg5[%dma_start3A_168, %dma_start3A_169] : memref<16384x128xf32, #tpu.memory_space<hbm>> -> memref<16384x128xf32, #tpu.memory_space<hbm>>
    tpu.enqueue_indirect_dma source(%dma_start3A_167 : memref<16x128xf32, #tpu.memory_space<vmem>>) target(%dma_start3A_170 : memref<16384x128xf32, #tpu.memory_space<hbm>>) offsets(%get3A_164 : vector<16xi32>) semaphore(%arg12 : memref<!tpu.dma_semaphore, #tpu.memory_space<semaphore_mem>>)
    %get3A_171 = arith.constant 1 : i32
    %get3A_172 = arith.index_cast %get3A_171 : i32 to index
    %get3A_173 = arith.constant 96 : index
    %get3A_174 = tpu.vector_load %arg7[%get3A_172, %get3A_173] {strides = array<i32>} : memref<4x128xi32, #tpu.memory_space<vmem>>, vector<16xi32>,
    %dma_start3A_175 = arith.constant 224 : i32
    %dma_start3A_176 = arith.constant 0 : i32
    %dma_start3A_177 = tpu.memref_slice %arg9[%dma_start3A_175, %dma_start3A_176] : memref<512x128xf32, #tpu.memory_space<vmem>> -> memref<16x128xf32, #tpu.memory_space<vmem>>
    %dma_start3A_178 = arith.constant 0 : i32
    %dma_start3A_179 = arith.constant 0 : i32
    %dma_start3A_180 = tpu.memref_slice %arg5[%dma_start3A_178, %dma_start3A_179] : memref<16384x128xf32, #tpu.memory_space<hbm>> -> memref<16384x128xf32, #tpu.memory_space<hbm>>
    tpu.enqueue_indirect_dma source(%dma_start3A_177 : memref<16x128xf32, #tpu.memory_space<vmem>>) target(%dma_start3A_180 : memref<16384x128xf32, #tpu.memory_space<hbm>>) offsets(%get3A_174 : vector<16xi32>) semaphore(%arg12 : memref<!tpu.dma_semaphore, #tpu.memory_space<semaphore_mem>>)
    %get3A_181 = arith.constant 1 : i32
    %get3A_182 = arith.index_cast %get3A_181 : i32 to index
    %get3A_183 = arith.constant 112 : index
    %get3A_184 = tpu.vector_load %arg7[%get3A_182, %get3A_183] {strides = array<i32>} : memref<4x128xi32, #tpu.memory_space<vmem>>, vector<16xi32>,
    %dma_start3A_185 = arith.constant 240 : i32
    %dma_start3A_186 = arith.constant 0 : i32
    %dma_start3A_187 = tpu.memref_slice %arg9[%dma_start3A_185, %dma_start3A_186] : memref<512x128xf32, #tpu.memory_space<vmem>> -> memref<16x128xf32, #tpu.memory_space<vmem>>
    %dma_start3A_188 = arith.constant 0 : i32
    %dma_start3A_189 = arith.constant 0 : i32
    %dma_start3A_190 = tpu.memref_slice %arg5[%dma_start3A_188, %dma_start3A_189] : memref<16384x128xf32, #tpu.memory_space<hbm>> -> memref<16384x128xf32, #tpu.memory_space<hbm>>
    tpu.enqueue_indirect_dma source(%dma_start3A_187 : memref<16x128xf32, #tpu.memory_space<vmem>>) target(%dma_start3A_190 : memref<16384x128xf32, #tpu.memory_space<hbm>>) offsets(%get3A_184 : vector<16xi32>) semaphore(%arg12 : memref<!tpu.dma_semaphore, #tpu.memory_space<semaphore_mem>>)
    %get3A_191 = arith.constant 2 : i32
    %get3A_192 = arith.index_cast %get3A_191 : i32 to index
    %get3A_193 = arith.constant 0 : index
    %get3A_194 = tpu.vector_load %arg7[%get3A_192, %get3A_193] {strides = array<i32>} : memref<4x128xi32, #tpu.memory_space<vmem>>, vector<16xi32>,
    %dma_start3A_195 = arith.constant 256 : i32
    %dma_start3A_196 = arith.constant 0 : i32
    %dma_start3A_197 = tpu.memref_slice %arg9[%dma_start3A_195, %dma_start3A_196] : memref<512x128xf32, #tpu.memory_space<vmem>> -> memref<16x128xf32, #tpu.memory_space<vmem>>
    %dma_start3A_198 = arith.constant 0 : i32
    %dma_start3A_199 = arith.constant 0 : i32
    %dma_start3A_200 = tpu.memref_slice %arg5[%dma_start3A_198, %dma_start3A_199] : memref<16384x128xf32, #tpu.memory_space<hbm>> -> memref<16384x128xf32, #tpu.memory_space<hbm>>
    tpu.enqueue_indirect_dma source(%dma_start3A_197 : memref<16x128xf32, #tpu.memory_space<vmem>>) target(%dma_start3A_200 : memref<16384x128xf32, #tpu.memory_space<hbm>>) offsets(%get3A_194 : vector<16xi32>) semaphore(%arg12 : memref<!tpu.dma_semaphore, #tpu.memory_space<semaphore_mem>>)
    %get3A_201 = arith.constant 2 : i32
    %get3A_202 = arith.index_cast %get3A_201 : i32 to index
    %get3A_203 = arith.constant 16 : index
    %get3A_204 = tpu.vector_load %arg7[%get3A_202, %get3A_203] {strides = array<i32>} : memref<4x128xi32, #tpu.memory_space<vmem>>, vector<16xi32>,
    %dma_start3A_205 = arith.constant 272 : i32
    %dma_start3A_206 = arith.constant 0 : i32
    %dma_start3A_207 = tpu.memref_slice %arg9[%dma_start3A_205, %dma_start3A_206] : memref<512x128xf32, #tpu.memory_space<vmem>> -> memref<16x128xf32, #tpu.memory_space<vmem>>
    %dma_start3A_208 = arith.constant 0 : i32
    %dma_start3A_209 = arith.constant 0 : i32
    %dma_start3A_210 = tpu.memref_slice %arg5[%dma_start3A_208, %dma_start3A_209] : memref<16384x128xf32, #tpu.memory_space<hbm>> -> memref<16384x128xf32, #tpu.memory_space<hbm>>
    tpu.enqueue_indirect_dma source(%dma_start3A_207 : memref<16x128xf32, #tpu.memory_space<vmem>>) target(%dma_start3A_210 : memref<16384x128xf32, #tpu.memory_space<hbm>>) offsets(%get3A_204 : vector<16xi32>) semaphore(%arg12 : memref<!tpu.dma_semaphore, #tpu.memory_space<semaphore_mem>>)
    %get3A_211 = arith.constant 2 : i32
    %get3A_212 = arith.index_cast %get3A_211 : i32 to index
    %get3A_213 = arith.constant 32 : index
    %get3A_214 = tpu.vector_load %arg7[%get3A_212, %get3A_213] {strides = array<i32>} : memref<4x128xi32, #tpu.memory_space<vmem>>, vector<16xi32>,
    %dma_start3A_215 = arith.constant 288 : i32
    %dma_start3A_216 = arith.constant 0 : i32
    %dma_start3A_217 = tpu.memref_slice %arg9[%dma_start3A_215, %dma_start3A_216] : memref<512x128xf32, #tpu.memory_space<vmem>> -> memref<16x128xf32, #tpu.memory_space<vmem>>
    %dma_start3A_218 = arith.constant 0 : i32
    %dma_start3A_219 = arith.constant 0 : i32
    %dma_start3A_220 = tpu.memref_slice %arg5[%dma_start3A_218, %dma_start3A_219] : memref<16384x128xf32, #tpu.memory_space<hbm>> -> memref<16384x128xf32, #tpu.memory_space<hbm>>
    tpu.enqueue_indirect_dma source(%dma_start3A_217 : memref<16x128xf32, #tpu.memory_space<vmem>>) target(%dma_start3A_220 : memref<16384x128xf32, #tpu.memory_space<hbm>>) offsets(%get3A_214 : vector<16xi32>) semaphore(%arg12 : memref<!tpu.dma_semaphore, #tpu.memory_space<semaphore_mem>>)
    %get3A_221 = arith.constant 2 : i32
    %get3A_222 = arith.index_cast %get3A_221 : i32 to index
    %get3A_223 = arith.constant 48 : index
    %get3A_224 = tpu.vector_load %arg7[%get3A_222, %get3A_223] {strides = array<i32>} : memref<4x128xi32, #tpu.memory_space<vmem>>, vector<16xi32>,
    %dma_start3A_225 = arith.constant 304 : i32
    %dma_start3A_226 = arith.constant 0 : i32
    %dma_start3A_227 = tpu.memref_slice %arg9[%dma_start3A_225, %dma_start3A_226] : memref<512x128xf32, #tpu.memory_space<vmem>> -> memref<16x128xf32, #tpu.memory_space<vmem>>
    %dma_start3A_228 = arith.constant 0 : i32
    %dma_start3A_229 = arith.constant 0 : i32
    %dma_start3A_230 = tpu.memref_slice %arg5[%dma_start3A_228, %dma_start3A_229] : memref<16384x128xf32, #tpu.memory_space<hbm>> -> memref<16384x128xf32, #tpu.memory_space<hbm>>
    tpu.enqueue_indirect_dma source(%dma_start3A_227 : memref<16x128xf32, #tpu.memory_space<vmem>>) target(%dma_start3A_230 : memref<16384x128xf32, #tpu.memory_space<hbm>>) offsets(%get3A_224 : vector<16xi32>) semaphore(%arg12 : memref<!tpu.dma_semaphore, #tpu.memory_space<semaphore_mem>>)
    %get3A_231 = arith.constant 2 : i32
    %get3A_232 = arith.index_cast %get3A_231 : i32 to index
    %get3A_233 = arith.constant 64 : index
    %get3A_234 = tpu.vector_load %arg7[%get3A_232, %get3A_233] {strides = array<i32>} : memref<4x128xi32, #tpu.memory_space<vmem>>, vector<16xi32>,
    %dma_start3A_235 = arith.constant 320 : i32
    %dma_start3A_236 = arith.constant 0 : i32
    %dma_start3A_237 = tpu.memref_slice %arg9[%dma_start3A_235, %dma_start3A_236] : memref<512x128xf32, #tpu.memory_space<vmem>> -> memref<16x128xf32, #tpu.memory_space<vmem>>
    %dma_start3A_238 = arith.constant 0 : i32
    %dma_start3A_239 = arith.constant 0 : i32
    %dma_start3A_240 = tpu.memref_slice %arg5[%dma_start3A_238, %dma_start3A_239] : memref<16384x128xf32, #tpu.memory_space<hbm>> -> memref<16384x128xf32, #tpu.memory_space<hbm>>
    tpu.enqueue_indirect_dma source(%dma_start3A_237 : memref<16x128xf32, #tpu.memory_space<vmem>>) target(%dma_start3A_240 : memref<16384x128xf32, #tpu.memory_space<hbm>>) offsets(%get3A_234 : vector<16xi32>) semaphore(%arg12 : memref<!tpu.dma_semaphore, #tpu.memory_space<semaphore_mem>>)
    %get3A_241 = arith.constant 2 : i32
    %get3A_242 = arith.index_cast %get3A_241 : i32 to index
    %get3A_243 = arith.constant 80 : index
    %get3A_244 = tpu.vector_load %arg7[%get3A_242, %get3A_243] {strides = array<i32>} : memref<4x128xi32, #tpu.memory_space<vmem>>, vector<16xi32>,
    %dma_start3A_245 = arith.constant 336 : i32
    %dma_start3A_246 = arith.constant 0 : i32
    %dma_start3A_247 = tpu.memref_slice %arg9[%dma_start3A_245, %dma_start3A_246] : memref<512x128xf32, #tpu.memory_space<vmem>> -> memref<16x128xf32, #tpu.memory_space<vmem>>
    %dma_start3A_248 = arith.constant 0 : i32
    %dma_start3A_249 = arith.constant 0 : i32
    %dma_start3A_250 = tpu.memref_slice %arg5[%dma_start3A_248, %dma_start3A_249] : memref<16384x128xf32, #tpu.memory_space<hbm>> -> memref<16384x128xf32, #tpu.memory_space<hbm>>
    tpu.enqueue_indirect_dma source(%dma_start3A_247 : memref<16x128xf32, #tpu.memory_space<vmem>>) target(%dma_start3A_250 : memref<16384x128xf32, #tpu.memory_space<hbm>>) offsets(%get3A_244 : vector<16xi32>) semaphore(%arg12 : memref<!tpu.dma_semaphore, #tpu.memory_space<semaphore_mem>>)
    %get3A_251 = arith.constant 2 : i32
    %get3A_252 = arith.index_cast %get3A_251 : i32 to index
    %get3A_253 = arith.constant 96 : index
    %get3A_254 = tpu.vector_load %arg7[%get3A_252, %get3A_253] {strides = array<i32>} : memref<4x128xi32, #tpu.memory_space<vmem>>, vector<16xi32>,
    %dma_start3A_255 = arith.constant 352 : i32
    %dma_start3A_256 = arith.constant 0 : i32
    %dma_start3A_257 = tpu.memref_slice %arg9[%dma_start3A_255, %dma_start3A_256] : memref<512x128xf32, #tpu.memory_space<vmem>> -> memref<16x128xf32, #tpu.memory_space<vmem>>
    %dma_start3A_258 = arith.constant 0 : i32
    %dma_start3A_259 = arith.constant 0 : i32
    %dma_start3A_260 = tpu.memref_slice %arg5[%dma_start3A_258, %dma_start3A_259] : memref<16384x128xf32, #tpu.memory_space<hbm>> -> memref<16384x128xf32, #tpu.memory_space<hbm>>
    tpu.enqueue_indirect_dma source(%dma_start3A_257 : memref<16x128xf32, #tpu.memory_space<vmem>>) target(%dma_start3A_260 : memref<16384x128xf32, #tpu.memory_space<hbm>>) offsets(%get3A_254 : vector<16xi32>) semaphore(%arg12 : memref<!tpu.dma_semaphore, #tpu.memory_space<semaphore_mem>>)
    %get3A_261 = arith.constant 2 : i32
    %get3A_262 = arith.index_cast %get3A_261 : i32 to index
    %get3A_263 = arith.constant 112 : index
    %get3A_264 = tpu.vector_load %arg7[%get3A_262, %get3A_263] {strides = array<i32>} : memref<4x128xi32, #tpu.memory_space<vmem>>, vector<16xi32>,
    %dma_start3A_265 = arith.constant 368 : i32
    %dma_start3A_266 = arith.constant 0 : i32
    %dma_start3A_267 = tpu.memref_slice %arg9[%dma_start3A_265, %dma_start3A_266] : memref<512x128xf32, #tpu.memory_space<vmem>> -> memref<16x128xf32, #tpu.memory_space<vmem>>
    %dma_start3A_268 = arith.constant 0 : i32
    %dma_start3A_269 = arith.constant 0 : i32
    %dma_start3A_270 = tpu.memref_slice %arg5[%dma_start3A_268, %dma_start3A_269] : memref<16384x128xf32, #tpu.memory_space<hbm>> -> memref<16384x128xf32, #tpu.memory_space<hbm>>
    tpu.enqueue_indirect_dma source(%dma_start3A_267 : memref<16x128xf32, #tpu.memory_space<vmem>>) target(%dma_start3A_270 : memref<16384x128xf32, #tpu.memory_space<hbm>>) offsets(%get3A_264 : vector<16xi32>) semaphore(%arg12 : memref<!tpu.dma_semaphore, #tpu.memory_space<semaphore_mem>>)
    %get3A_271 = arith.constant 3 : i32
    %get3A_272 = arith.index_cast %get3A_271 : i32 to index
    %get3A_273 = arith.constant 0 : index
    %get3A_274 = tpu.vector_load %arg7[%get3A_272, %get3A_273] {strides = array<i32>} : memref<4x128xi32, #tpu.memory_space<vmem>>, vector<16xi32>,
    %dma_start3A_275 = arith.constant 384 : i32
    %dma_start3A_276 = arith.constant 0 : i32
    %dma_start3A_277 = tpu.memref_slice %arg9[%dma_start3A_275, %dma_start3A_276] : memref<512x128xf32, #tpu.memory_space<vmem>> -> memref<16x128xf32, #tpu.memory_space<vmem>>
    %dma_start3A_278 = arith.constant 0 : i32
    %dma_start3A_279 = arith.constant 0 : i32
    %dma_start3A_280 = tpu.memref_slice %arg5[%dma_start3A_278, %dma_start3A_279] : memref<16384x128xf32, #tpu.memory_space<hbm>> -> memref<16384x128xf32, #tpu.memory_space<hbm>>
    tpu.enqueue_indirect_dma source(%dma_start3A_277 : memref<16x128xf32, #tpu.memory_space<vmem>>) target(%dma_start3A_280 : memref<16384x128xf32, #tpu.memory_space<hbm>>) offsets(%get3A_274 : vector<16xi32>) semaphore(%arg12 : memref<!tpu.dma_semaphore, #tpu.memory_space<semaphore_mem>>)
    %get3A_281 = arith.constant 3 : i32
    %get3A_282 = arith.index_cast %get3A_281 : i32 to index
    %get3A_283 = arith.constant 16 : index
    %get3A_284 = tpu.vector_load %arg7[%get3A_282, %get3A_283] {strides = array<i32>} : memref<4x128xi32, #tpu.memory_space<vmem>>, vector<16xi32>,
    %dma_start3A_285 = arith.constant 400 : i32
    %dma_start3A_286 = arith.constant 0 : i32
    %dma_start3A_287 = tpu.memref_slice %arg9[%dma_start3A_285, %dma_start3A_286] : memref<512x128xf32, #tpu.memory_space<vmem>> -> memref<16x128xf32, #tpu.memory_space<vmem>>
    %dma_start3A_288 = arith.constant 0 : i32
    %dma_start3A_289 = arith.constant 0 : i32
    %dma_start3A_290 = tpu.memref_slice %arg5[%dma_start3A_288, %dma_start3A_289] : memref<16384x128xf32, #tpu.memory_space<hbm>> -> memref<16384x128xf32, #tpu.memory_space<hbm>>
    tpu.enqueue_indirect_dma source(%dma_start3A_287 : memref<16x128xf32, #tpu.memory_space<vmem>>) target(%dma_start3A_290 : memref<16384x128xf32, #tpu.memory_space<hbm>>) offsets(%get3A_284 : vector<16xi32>) semaphore(%arg12 : memref<!tpu.dma_semaphore, #tpu.memory_space<semaphore_mem>>)
    %get3A_291 = arith.constant 3 : i32
    %get3A_292 = arith.index_cast %get3A_291 : i32 to index
    %get3A_293 = arith.constant 32 : index
    %get3A_294 = tpu.vector_load %arg7[%get3A_292, %get3A_293] {strides = array<i32>} : memref<4x128xi32, #tpu.memory_space<vmem>>, vector<16xi32>,
    %dma_start3A_295 = arith.constant 416 : i32
    %dma_start3A_296 = arith.constant 0 : i32
    %dma_start3A_297 = tpu.memref_slice %arg9[%dma_start3A_295, %dma_start3A_296] : memref<512x128xf32, #tpu.memory_space<vmem>> -> memref<16x128xf32, #tpu.memory_space<vmem>>
    %dma_start3A_298 = arith.constant 0 : i32
    %dma_start3A_299 = arith.constant 0 : i32
    %dma_start3A_300 = tpu.memref_slice %arg5[%dma_start3A_298, %dma_start3A_299] : memref<16384x128xf32, #tpu.memory_space<hbm>> -> memref<16384x128xf32, #tpu.memory_space<hbm>>
    tpu.enqueue_indirect_dma source(%dma_start3A_297 : memref<16x128xf32, #tpu.memory_space<vmem>>) target(%dma_start3A_300 : memref<16384x128xf32, #tpu.memory_space<hbm>>) offsets(%get3A_294 : vector<16xi32>) semaphore(%arg12 : memref<!tpu.dma_semaphore, #tpu.memory_space<semaphore_mem>>)
    %get3A_301 = arith.constant 3 : i32
    %get3A_302 = arith.index_cast %get3A_301 : i32 to index
    %get3A_303 = arith.constant 48 : index
    %get3A_304 = tpu.vector_load %arg7[%get3A_302, %get3A_303] {strides = array<i32>} : memref<4x128xi32, #tpu.memory_space<vmem>>, vector<16xi32>,
    %dma_start3A_305 = arith.constant 432 : i32
    %dma_start3A_306 = arith.constant 0 : i32
    %dma_start3A_307 = tpu.memref_slice %arg9[%dma_start3A_305, %dma_start3A_306] : memref<512x128xf32, #tpu.memory_space<vmem>> -> memref<16x128xf32, #tpu.memory_space<vmem>>
    %dma_start3A_308 = arith.constant 0 : i32
    %dma_start3A_309 = arith.constant 0 : i32
    %dma_start3A_310 = tpu.memref_slice %arg5[%dma_start3A_308, %dma_start3A_309] : memref<16384x128xf32, #tpu.memory_space<hbm>> -> memref<16384x128xf32, #tpu.memory_space<hbm>>
    tpu.enqueue_indirect_dma source(%dma_start3A_307 : memref<16x128xf32, #tpu.memory_space<vmem>>) target(%dma_start3A_310 : memref<16384x128xf32, #tpu.memory_space<hbm>>) offsets(%get3A_304 : vector<16xi32>) semaphore(%arg12 : memref<!tpu.dma_semaphore, #tpu.memory_space<semaphore_mem>>)
    %get3A_311 = arith.constant 3 : i32
    %get3A_312 = arith.index_cast %get3A_311 : i32 to index
    %get3A_313 = arith.constant 64 : index
    %get3A_314 = tpu.vector_load %arg7[%get3A_312, %get3A_313] {strides = array<i32>} : memref<4x128xi32, #tpu.memory_space<vmem>>, vector<16xi32>,
    %dma_start3A_315 = arith.constant 448 : i32
    %dma_start3A_316 = arith.constant 0 : i32
    %dma_start3A_317 = tpu.memref_slice %arg9[%dma_start3A_315, %dma_start3A_316] : memref<512x128xf32, #tpu.memory_space<vmem>> -> memref<16x128xf32, #tpu.memory_space<vmem>>
    %dma_start3A_318 = arith.constant 0 : i32
    %dma_start3A_319 = arith.constant 0 : i32
    %dma_start3A_320 = tpu.memref_slice %arg5[%dma_start3A_318, %dma_start3A_319] : memref<16384x128xf32, #tpu.memory_space<hbm>> -> memref<16384x128xf32, #tpu.memory_space<hbm>>
    tpu.enqueue_indirect_dma source(%dma_start3A_317 : memref<16x128xf32, #tpu.memory_space<vmem>>) target(%dma_start3A_320 : memref<16384x128xf32, #tpu.memory_space<hbm>>) offsets(%get3A_314 : vector<16xi32>) semaphore(%arg12 : memref<!tpu.dma_semaphore, #tpu.memory_space<semaphore_mem>>)
    %get3A_321 = arith.constant 3 : i32
    %get3A_322 = arith.index_cast %get3A_321 : i32 to index
    %get3A_323 = arith.constant 80 : index
    %get3A_324 = tpu.vector_load %arg7[%get3A_322, %get3A_323] {strides = array<i32>} : memref<4x128xi32, #tpu.memory_space<vmem>>, vector<16xi32>,
    %dma_start3A_325 = arith.constant 464 : i32
    %dma_start3A_326 = arith.constant 0 : i32
    %dma_start3A_327 = tpu.memref_slice %arg9[%dma_start3A_325, %dma_start3A_326] : memref<512x128xf32, #tpu.memory_space<vmem>> -> memref<16x128xf32, #tpu.memory_space<vmem>>
    %dma_start3A_328 = arith.constant 0 : i32
    %dma_start3A_329 = arith.constant 0 : i32
    %dma_start3A_330 = tpu.memref_slice %arg5[%dma_start3A_328, %dma_start3A_329] : memref<16384x128xf32, #tpu.memory_space<hbm>> -> memref<16384x128xf32, #tpu.memory_space<hbm>>
    tpu.enqueue_indirect_dma source(%dma_start3A_327 : memref<16x128xf32, #tpu.memory_space<vmem>>) target(%dma_start3A_330 : memref<16384x128xf32, #tpu.memory_space<hbm>>) offsets(%get3A_324 : vector<16xi32>) semaphore(%arg12 : memref<!tpu.dma_semaphore, #tpu.memory_space<semaphore_mem>>)
    %get3A_331 = arith.constant 3 : i32
    %get3A_332 = arith.index_cast %get3A_331 : i32 to index
    %get3A_333 = arith.constant 96 : index
    %get3A_334 = tpu.vector_load %arg7[%get3A_332, %get3A_333] {strides = array<i32>} : memref<4x128xi32, #tpu.memory_space<vmem>>, vector<16xi32>,
    %dma_start3A_335 = arith.constant 480 : i32
    %dma_start3A_336 = arith.constant 0 : i32
    %dma_start3A_337 = tpu.memref_slice %arg9[%dma_start3A_335, %dma_start3A_336] : memref<512x128xf32, #tpu.memory_space<vmem>> -> memref<16x128xf32, #tpu.memory_space<vmem>>
    %dma_start3A_338 = arith.constant 0 : i32
    %dma_start3A_339 = arith.constant 0 : i32
    %dma_start3A_340 = tpu.memref_slice %arg5[%dma_start3A_338, %dma_start3A_339] : memref<16384x128xf32, #tpu.memory_space<hbm>> -> memref<16384x128xf32, #tpu.memory_space<hbm>>
    tpu.enqueue_indirect_dma source(%dma_start3A_337 : memref<16x128xf32, #tpu.memory_space<vmem>>) target(%dma_start3A_340 : memref<16384x128xf32, #tpu.memory_space<hbm>>) offsets(%get3A_334 : vector<16xi32>) semaphore(%arg12 : memref<!tpu.dma_semaphore, #tpu.memory_space<semaphore_mem>>)
    %get3A_341 = arith.constant 3 : i32
    %get3A_342 = arith.index_cast %get3A_341 : i32 to index
    %get3A_343 = arith.constant 112 : index
    %get3A_344 = tpu.vector_load %arg7[%get3A_342, %get3A_343] {strides = array<i32>} : memref<4x128xi32, #tpu.memory_space<vmem>>, vector<16xi32>,
    %dma_start3A_345 = arith.constant 496 : i32
    %dma_start3A_346 = arith.constant 0 : i32
    %dma_start3A_347 = tpu.memref_slice %arg9[%dma_start3A_345, %dma_start3A_346] : memref<512x128xf32, #tpu.memory_space<vmem>> -> memref<16x128xf32, #tpu.memory_space<vmem>>
    %dma_start3A_348 = arith.constant 0 : i32
    %dma_start3A_349 = arith.constant 0 : i32
    %dma_start3A_350 = tpu.memref_slice %arg5[%dma_start3A_348, %dma_start3A_349] : memref<16384x128xf32, #tpu.memory_space<hbm>> -> memref<16384x128xf32, #tpu.memory_space<hbm>>
    tpu.enqueue_indirect_dma source(%dma_start3A_347 : memref<16x128xf32, #tpu.memory_space<vmem>>) target(%dma_start3A_350 : memref<16384x128xf32, #tpu.memory_space<hbm>>) offsets(%get3A_344 : vector<16xi32>) semaphore(%arg12 : memref<!tpu.dma_semaphore, #tpu.memory_space<semaphore_mem>>)
    %dma_wait3A = arith.constant 0 : i32
    %dma_wait3A_351 = arith.constant 0 : i32
    %dma_wait3A_352 = tpu.memref_slice %arg9[%dma_wait3A, %dma_wait3A_351] : memref<512x128xf32, #tpu.memory_space<vmem>> -> memref<16x128xf32, #tpu.memory_space<vmem>>
    %dma_wait3A_353 = arith.constant 0 : i32
    %dma_wait3A_354 = arith.constant 0 : i32
    %dma_wait3A_355 = tpu.memref_slice %arg5[%dma_wait3A_353, %dma_wait3A_354] : memref<16384x128xf32, #tpu.memory_space<hbm>> -> memref<16384x128xf32, #tpu.memory_space<hbm>>
    tpu.wait_indirect_dma semaphore(%arg12 : memref<!tpu.dma_semaphore, #tpu.memory_space<semaphore_mem>>) src(%dma_wait3A_352 : memref<16x128xf32, #tpu.memory_space<vmem>>) dst(%dma_wait3A_355 : memref<16384x128xf32, #tpu.memory_space<hbm>>)
    %dma_wait3A_356 = arith.constant 16 : i32
    %dma_wait3A_357 = arith.constant 0 : i32
    %dma_wait3A_358 = tpu.memref_slice %arg9[%dma_wait3A_356, %dma_wait3A_357] : memref<512x128xf32, #tpu.memory_space<vmem>> -> memref<16x128xf32, #tpu.memory_space<vmem>>
    %dma_wait3A_359 = arith.constant 0 : i32
    %dma_wait3A_360 = arith.constant 0 : i32
    %dma_wait3A_361 = tpu.memref_slice %arg5[%dma_wait3A_359, %dma_wait3A_360] : memref<16384x128xf32, #tpu.memory_space<hbm>> -> memref<16384x128xf32, #tpu.memory_space<hbm>>
    tpu.wait_indirect_dma semaphore(%arg12 : memref<!tpu.dma_semaphore, #tpu.memory_space<semaphore_mem>>) src(%dma_wait3A_358 : memref<16x128xf32, #tpu.memory_space<vmem>>) dst(%dma_wait3A_361 : memref<16384x128xf32, #tpu.memory_space<hbm>>)
    %dma_wait3A_362 = arith.constant 32 : i32
    %dma_wait3A_363 = arith.constant 0 : i32
    %dma_wait3A_364 = tpu.memref_slice %arg9[%dma_wait3A_362, %dma_wait3A_363] : memref<512x128xf32, #tpu.memory_space<vmem>> -> memref<16x128xf32, #tpu.memory_space<vmem>>
    %dma_wait3A_365 = arith.constant 0 : i32
    %dma_wait3A_366 = arith.constant 0 : i32
    %dma_wait3A_367 = tpu.memref_slice %arg5[%dma_wait3A_365, %dma_wait3A_366] : memref<16384x128xf32, #tpu.memory_space<hbm>> -> memref<16384x128xf32, #tpu.memory_space<hbm>>
    tpu.wait_indirect_dma semaphore(%arg12 : memref<!tpu.dma_semaphore, #tpu.memory_space<semaphore_mem>>) src(%dma_wait3A_364 : memref<16x128xf32, #tpu.memory_space<vmem>>) dst(%dma_wait3A_367 : memref<16384x128xf32, #tpu.memory_space<hbm>>)
    %dma_wait3A_368 = arith.constant 48 : i32
    %dma_wait3A_369 = arith.constant 0 : i32
    %dma_wait3A_370 = tpu.memref_slice %arg9[%dma_wait3A_368, %dma_wait3A_369] : memref<512x128xf32, #tpu.memory_space<vmem>> -> memref<16x128xf32, #tpu.memory_space<vmem>>
    %dma_wait3A_371 = arith.constant 0 : i32
    %dma_wait3A_372 = arith.constant 0 : i32
    %dma_wait3A_373 = tpu.memref_slice %arg5[%dma_wait3A_371, %dma_wait3A_372] : memref<16384x128xf32, #tpu.memory_space<hbm>> -> memref<16384x128xf32, #tpu.memory_space<hbm>>
    tpu.wait_indirect_dma semaphore(%arg12 : memref<!tpu.dma_semaphore, #tpu.memory_space<semaphore_mem>>) src(%dma_wait3A_370 : memref<16x128xf32, #tpu.memory_space<vmem>>) dst(%dma_wait3A_373 : memref<16384x128xf32, #tpu.memory_space<hbm>>)
    %dma_wait3A_374 = arith.constant 64 : i32
    %dma_wait3A_375 = arith.constant 0 : i32
    %dma_wait3A_376 = tpu.memref_slice %arg9[%dma_wait3A_374, %dma_wait3A_375] : memref<512x128xf32, #tpu.memory_space<vmem>> -> memref<16x128xf32, #tpu.memory_space<vmem>>
    %dma_wait3A_377 = arith.constant 0 : i32
    %dma_wait3A_378 = arith.constant 0 : i32
    %dma_wait3A_379 = tpu.memref_slice %arg5[%dma_wait3A_377, %dma_wait3A_378] : memref<16384x128xf32, #tpu.memory_space<hbm>> -> memref<16384x128xf32, #tpu.memory_space<hbm>>
    tpu.wait_indirect_dma semaphore(%arg12 : memref<!tpu.dma_semaphore, #tpu.memory_space<semaphore_mem>>) src(%dma_wait3A_376 : memref<16x128xf32, #tpu.memory_space<vmem>>) dst(%dma_wait3A_379 : memref<16384x128xf32, #tpu.memory_space<hbm>>)
    %dma_wait3A_380 = arith.constant 80 : i32
    %dma_wait3A_381 = arith.constant 0 : i32
    %dma_wait3A_382 = tpu.memref_slice %arg9[%dma_wait3A_380, %dma_wait3A_381] : memref<512x128xf32, #tpu.memory_space<vmem>> -> memref<16x128xf32, #tpu.memory_space<vmem>>
    %dma_wait3A_383 = arith.constant 0 : i32
    %dma_wait3A_384 = arith.constant 0 : i32
    %dma_wait3A_385 = tpu.memref_slice %arg5[%dma_wait3A_383, %dma_wait3A_384] : memref<16384x128xf32, #tpu.memory_space<hbm>> -> memref<16384x128xf32, #tpu.memory_space<hbm>>
    tpu.wait_indirect_dma semaphore(%arg12 : memref<!tpu.dma_semaphore, #tpu.memory_space<semaphore_mem>>) src(%dma_wait3A_382 : memref<16x128xf32, #tpu.memory_space<vmem>>) dst(%dma_wait3A_385 : memref<16384x128xf32, #tpu.memory_space<hbm>>)
    %dma_wait3A_386 = arith.constant 96 : i32
    %dma_wait3A_387 = arith.constant 0 : i32
    %dma_wait3A_388 = tpu.memref_slice %arg9[%dma_wait3A_386, %dma_wait3A_387] : memref<512x128xf32, #tpu.memory_space<vmem>> -> memref<16x128xf32, #tpu.memory_space<vmem>>
    %dma_wait3A_389 = arith.constant 0 : i32
    %dma_wait3A_390 = arith.constant 0 : i32
    %dma_wait3A_391 = tpu.memref_slice %arg5[%dma_wait3A_389, %dma_wait3A_390] : memref<16384x128xf32, #tpu.memory_space<hbm>> -> memref<16384x128xf32, #tpu.memory_space<hbm>>
    tpu.wait_indirect_dma semaphore(%arg12 : memref<!tpu.dma_semaphore, #tpu.memory_space<semaphore_mem>>) src(%dma_wait3A_388 : memref<16x128xf32, #tpu.memory_space<vmem>>) dst(%dma_wait3A_391 : memref<16384x128xf32, #tpu.memory_space<hbm>>)
    %dma_wait3A_392 = arith.constant 112 : i32
    %dma_wait3A_393 = arith.constant 0 : i32
    %dma_wait3A_394 = tpu.memref_slice %arg9[%dma_wait3A_392, %dma_wait3A_393] : memref<512x128xf32, #tpu.memory_space<vmem>> -> memref<16x128xf32, #tpu.memory_space<vmem>>
    %dma_wait3A_395 = arith.constant 0 : i32
    %dma_wait3A_396 = arith.constant 0 : i32
    %dma_wait3A_397 = tpu.memref_slice %arg5[%dma_wait3A_395, %dma_wait3A_396] : memref<16384x128xf32, #tpu.memory_space<hbm>> -> memref<16384x128xf32, #tpu.memory_space<hbm>>
    tpu.wait_indirect_dma semaphore(%arg12 : memref<!tpu.dma_semaphore, #tpu.memory_space<semaphore_mem>>) src(%dma_wait3A_394 : memref<16x128xf32, #tpu.memory_space<vmem>>) dst(%dma_wait3A_397 : memref<16384x128xf32, #tpu.memory_space<hbm>>)
    %dma_wait3A_398 = arith.constant 128 : i32
    %dma_wait3A_399 = arith.constant 0 : i32
    %dma_wait3A_400 = tpu.memref_slice %arg9[%dma_wait3A_398, %dma_wait3A_399] : memref<512x128xf32, #tpu.memory_space<vmem>> -> memref<16x128xf32, #tpu.memory_space<vmem>>
    %dma_wait3A_401 = arith.constant 0 : i32
    %dma_wait3A_402 = arith.constant 0 : i32
    %dma_wait3A_403 = tpu.memref_slice %arg5[%dma_wait3A_401, %dma_wait3A_402] : memref<16384x128xf32, #tpu.memory_space<hbm>> -> memref<16384x128xf32, #tpu.memory_space<hbm>>
    tpu.wait_indirect_dma semaphore(%arg12 : memref<!tpu.dma_semaphore, #tpu.memory_space<semaphore_mem>>) src(%dma_wait3A_400 : memref<16x128xf32, #tpu.memory_space<vmem>>) dst(%dma_wait3A_403 : memref<16384x128xf32, #tpu.memory_space<hbm>>)
    %dma_wait3A_404 = arith.constant 144 : i32
    %dma_wait3A_405 = arith.constant 0 : i32
    %dma_wait3A_406 = tpu.memref_slice %arg9[%dma_wait3A_404, %dma_wait3A_405] : memref<512x128xf32, #tpu.memory_space<vmem>> -> memref<16x128xf32, #tpu.memory_space<vmem>>
    %dma_wait3A_407 = arith.constant 0 : i32
    %dma_wait3A_408 = arith.constant 0 : i32
    %dma_wait3A_409 = tpu.memref_slice %arg5[%dma_wait3A_407, %dma_wait3A_408] : memref<16384x128xf32, #tpu.memory_space<hbm>> -> memref<16384x128xf32, #tpu.memory_space<hbm>>
    tpu.wait_indirect_dma semaphore(%arg12 : memref<!tpu.dma_semaphore, #tpu.memory_space<semaphore_mem>>) src(%dma_wait3A_406 : memref<16x128xf32, #tpu.memory_space<vmem>>) dst(%dma_wait3A_409 : memref<16384x128xf32, #tpu.memory_space<hbm>>)
    %dma_wait3A_410 = arith.constant 160 : i32
    %dma_wait3A_411 = arith.constant 0 : i32
    %dma_wait3A_412 = tpu.memref_slice %arg9[%dma_wait3A_410, %dma_wait3A_411] : memref<512x128xf32, #tpu.memory_space<vmem>> -> memref<16x128xf32, #tpu.memory_space<vmem>>
    %dma_wait3A_413 = arith.constant 0 : i32
    %dma_wait3A_414 = arith.constant 0 : i32
    %dma_wait3A_415 = tpu.memref_slice %arg5[%dma_wait3A_413, %dma_wait3A_414] : memref<16384x128xf32, #tpu.memory_space<hbm>> -> memref<16384x128xf32, #tpu.memory_space<hbm>>
    tpu.wait_indirect_dma semaphore(%arg12 : memref<!tpu.dma_semaphore, #tpu.memory_space<semaphore_mem>>) src(%dma_wait3A_412 : memref<16x128xf32, #tpu.memory_space<vmem>>) dst(%dma_wait3A_415 : memref<16384x128xf32, #tpu.memory_space<hbm>>)
    %dma_wait3A_416 = arith.constant 176 : i32
    %dma_wait3A_417 = arith.constant 0 : i32
    %dma_wait3A_418 = tpu.memref_slice %arg9[%dma_wait3A_416, %dma_wait3A_417] : memref<512x128xf32, #tpu.memory_space<vmem>> -> memref<16x128xf32, #tpu.memory_space<vmem>>
    %dma_wait3A_419 = arith.constant 0 : i32
    %dma_wait3A_420 = arith.constant 0 : i32
    %dma_wait3A_421 = tpu.memref_slice %arg5[%dma_wait3A_419, %dma_wait3A_420] : memref<16384x128xf32, #tpu.memory_space<hbm>> -> memref<16384x128xf32, #tpu.memory_space<hbm>>
    tpu.wait_indirect_dma semaphore(%arg12 : memref<!tpu.dma_semaphore, #tpu.memory_space<semaphore_mem>>) src(%dma_wait3A_418 : memref<16x128xf32, #tpu.memory_space<vmem>>) dst(%dma_wait3A_421 : memref<16384x128xf32, #tpu.memory_space<hbm>>)
    %dma_wait3A_422 = arith.constant 192 : i32
    %dma_wait3A_423 = arith.constant 0 : i32
    %dma_wait3A_424 = tpu.memref_slice %arg9[%dma_wait3A_422, %dma_wait3A_423] : memref<512x128xf32, #tpu.memory_space<vmem>> -> memref<16x128xf32, #tpu.memory_space<vmem>>
    %dma_wait3A_425 = arith.constant 0 : i32
    %dma_wait3A_426 = arith.constant 0 : i32
    %dma_wait3A_427 = tpu.memref_slice %arg5[%dma_wait3A_425, %dma_wait3A_426] : memref<16384x128xf32, #tpu.memory_space<hbm>> -> memref<16384x128xf32, #tpu.memory_space<hbm>>
    tpu.wait_indirect_dma semaphore(%arg12 : memref<!tpu.dma_semaphore, #tpu.memory_space<semaphore_mem>>) src(%dma_wait3A_424 : memref<16x128xf32, #tpu.memory_space<vmem>>) dst(%dma_wait3A_427 : memref<16384x128xf32, #tpu.memory_space<hbm>>)
    %dma_wait3A_428 = arith.constant 208 : i32
    %dma_wait3A_429 = arith.constant 0 : i32
    %dma_wait3A_430 = tpu.memref_slice %arg9[%dma_wait3A_428, %dma_wait3A_429] : memref<512x128xf32, #tpu.memory_space<vmem>> -> memref<16x128xf32, #tpu.memory_space<vmem>>
    %dma_wait3A_431 = arith.constant 0 : i32
    %dma_wait3A_432 = arith.constant 0 : i32
    %dma_wait3A_433 = tpu.memref_slice %arg5[%dma_wait3A_431, %dma_wait3A_432] : memref<16384x128xf32, #tpu.memory_space<hbm>> -> memref<16384x128xf32, #tpu.memory_space<hbm>>
    tpu.wait_indirect_dma semaphore(%arg12 : memref<!tpu.dma_semaphore, #tpu.memory_space<semaphore_mem>>) src(%dma_wait3A_430 : memref<16x128xf32, #tpu.memory_space<vmem>>) dst(%dma_wait3A_433 : memref<16384x128xf32, #tpu.memory_space<hbm>>)
    %dma_wait3A_434 = arith.constant 224 : i32
    %dma_wait3A_435 = arith.constant 0 : i32
    %dma_wait3A_436 = tpu.memref_slice %arg9[%dma_wait3A_434, %dma_wait3A_435] : memref<512x128xf32, #tpu.memory_space<vmem>> -> memref<16x128xf32, #tpu.memory_space<vmem>>
    %dma_wait3A_437 = arith.constant 0 : i32
    %dma_wait3A_438 = arith.constant 0 : i32
    %dma_wait3A_439 = tpu.memref_slice %arg5[%dma_wait3A_437, %dma_wait3A_438] : memref<16384x128xf32, #tpu.memory_space<hbm>> -> memref<16384x128xf32, #tpu.memory_space<hbm>>
    tpu.wait_indirect_dma semaphore(%arg12 : memref<!tpu.dma_semaphore, #tpu.memory_space<semaphore_mem>>) src(%dma_wait3A_436 : memref<16x128xf32, #tpu.memory_space<vmem>>) dst(%dma_wait3A_439 : memref<16384x128xf32, #tpu.memory_space<hbm>>)
    %dma_wait3A_440 = arith.constant 240 : i32
    %dma_wait3A_441 = arith.constant 0 : i32
    %dma_wait3A_442 = tpu.memref_slice %arg9[%dma_wait3A_440, %dma_wait3A_441] : memref<512x128xf32, #tpu.memory_space<vmem>> -> memref<16x128xf32, #tpu.memory_space<vmem>>
    %dma_wait3A_443 = arith.constant 0 : i32
    %dma_wait3A_444 = arith.constant 0 : i32
    %dma_wait3A_445 = tpu.memref_slice %arg5[%dma_wait3A_443, %dma_wait3A_444] : memref<16384x128xf32, #tpu.memory_space<hbm>> -> memref<16384x128xf32, #tpu.memory_space<hbm>>
    tpu.wait_indirect_dma semaphore(%arg12 : memref<!tpu.dma_semaphore, #tpu.memory_space<semaphore_mem>>) src(%dma_wait3A_442 : memref<16x128xf32, #tpu.memory_space<vmem>>) dst(%dma_wait3A_445 : memref<16384x128xf32, #tpu.memory_space<hbm>>)
    %dma_wait3A_446 = arith.constant 256 : i32
    %dma_wait3A_447 = arith.constant 0 : i32
    %dma_wait3A_448 = tpu.memref_slice %arg9[%dma_wait3A_446, %dma_wait3A_447] : memref<512x128xf32, #tpu.memory_space<vmem>> -> memref<16x128xf32, #tpu.memory_space<vmem>>
    %dma_wait3A_449 = arith.constant 0 : i32
    %dma_wait3A_450 = arith.constant 0 : i32
    %dma_wait3A_451 = tpu.memref_slice %arg5[%dma_wait3A_449, %dma_wait3A_450] : memref<16384x128xf32, #tpu.memory_space<hbm>> -> memref<16384x128xf32, #tpu.memory_space<hbm>>
    tpu.wait_indirect_dma semaphore(%arg12 : memref<!tpu.dma_semaphore, #tpu.memory_space<semaphore_mem>>) src(%dma_wait3A_448 : memref<16x128xf32, #tpu.memory_space<vmem>>) dst(%dma_wait3A_451 : memref<16384x128xf32, #tpu.memory_space<hbm>>)
    %dma_wait3A_452 = arith.constant 272 : i32
    %dma_wait3A_453 = arith.constant 0 : i32
    %dma_wait3A_454 = tpu.memref_slice %arg9[%dma_wait3A_452, %dma_wait3A_453] : memref<512x128xf32, #tpu.memory_space<vmem>> -> memref<16x128xf32, #tpu.memory_space<vmem>>
    %dma_wait3A_455 = arith.constant 0 : i32
    %dma_wait3A_456 = arith.constant 0 : i32
    %dma_wait3A_457 = tpu.memref_slice %arg5[%dma_wait3A_455, %dma_wait3A_456] : memref<16384x128xf32, #tpu.memory_space<hbm>> -> memref<16384x128xf32, #tpu.memory_space<hbm>>
    tpu.wait_indirect_dma semaphore(%arg12 : memref<!tpu.dma_semaphore, #tpu.memory_space<semaphore_mem>>) src(%dma_wait3A_454 : memref<16x128xf32, #tpu.memory_space<vmem>>) dst(%dma_wait3A_457 : memref<16384x128xf32, #tpu.memory_space<hbm>>)
    %dma_wait3A_458 = arith.constant 288 : i32
    %dma_wait3A_459 = arith.constant 0 : i32
    %dma_wait3A_460 = tpu.memref_slice %arg9[%dma_wait3A_458, %dma_wait3A_459] : memref<512x128xf32, #tpu.memory_space<vmem>> -> memref<16x128xf32, #tpu.memory_space<vmem>>
    %dma_wait3A_461 = arith.constant 0 : i32
    %dma_wait3A_462 = arith.constant 0 : i32
    %dma_wait3A_463 = tpu.memref_slice %arg5[%dma_wait3A_461, %dma_wait3A_462] : memref<16384x128xf32, #tpu.memory_space<hbm>> -> memref<16384x128xf32, #tpu.memory_space<hbm>>
    tpu.wait_indirect_dma semaphore(%arg12 : memref<!tpu.dma_semaphore, #tpu.memory_space<semaphore_mem>>) src(%dma_wait3A_460 : memref<16x128xf32, #tpu.memory_space<vmem>>) dst(%dma_wait3A_463 : memref<16384x128xf32, #tpu.memory_space<hbm>>)
    %dma_wait3A_464 = arith.constant 304 : i32
    %dma_wait3A_465 = arith.constant 0 : i32
    %dma_wait3A_466 = tpu.memref_slice %arg9[%dma_wait3A_464, %dma_wait3A_465] : memref<512x128xf32, #tpu.memory_space<vmem>> -> memref<16x128xf32, #tpu.memory_space<vmem>>
    %dma_wait3A_467 = arith.constant 0 : i32
    %dma_wait3A_468 = arith.constant 0 : i32
    %dma_wait3A_469 = tpu.memref_slice %arg5[%dma_wait3A_467, %dma_wait3A_468] : memref<16384x128xf32, #tpu.memory_space<hbm>> -> memref<16384x128xf32, #tpu.memory_space<hbm>>
    tpu.wait_indirect_dma semaphore(%arg12 : memref<!tpu.dma_semaphore, #tpu.memory_space<semaphore_mem>>) src(%dma_wait3A_466 : memref<16x128xf32, #tpu.memory_space<vmem>>) dst(%dma_wait3A_469 : memref<16384x128xf32, #tpu.memory_space<hbm>>)
    %dma_wait3A_470 = arith.constant 320 : i32
    %dma_wait3A_471 = arith.constant 0 : i32
    %dma_wait3A_472 = tpu.memref_slice %arg9[%dma_wait3A_470, %dma_wait3A_471] : memref<512x128xf32, #tpu.memory_space<vmem>> -> memref<16x128xf32, #tpu.memory_space<vmem>>
    %dma_wait3A_473 = arith.constant 0 : i32
    %dma_wait3A_474 = arith.constant 0 : i32
    %dma_wait3A_475 = tpu.memref_slice %arg5[%dma_wait3A_473, %dma_wait3A_474] : memref<16384x128xf32, #tpu.memory_space<hbm>> -> memref<16384x128xf32, #tpu.memory_space<hbm>>
    tpu.wait_indirect_dma semaphore(%arg12 : memref<!tpu.dma_semaphore, #tpu.memory_space<semaphore_mem>>) src(%dma_wait3A_472 : memref<16x128xf32, #tpu.memory_space<vmem>>) dst(%dma_wait3A_475 : memref<16384x128xf32, #tpu.memory_space<hbm>>)
    %dma_wait3A_476 = arith.constant 336 : i32
    %dma_wait3A_477 = arith.constant 0 : i32
    %dma_wait3A_478 = tpu.memref_slice %arg9[%dma_wait3A_476, %dma_wait3A_477] : memref<512x128xf32, #tpu.memory_space<vmem>> -> memref<16x128xf32, #tpu.memory_space<vmem>>
    %dma_wait3A_479 = arith.constant 0 : i32
    %dma_wait3A_480 = arith.constant 0 : i32
    %dma_wait3A_481 = tpu.memref_slice %arg5[%dma_wait3A_479, %dma_wait3A_480] : memref<16384x128xf32, #tpu.memory_space<hbm>> -> memref<16384x128xf32, #tpu.memory_space<hbm>>
    tpu.wait_indirect_dma semaphore(%arg12 : memref<!tpu.dma_semaphore, #tpu.memory_space<semaphore_mem>>) src(%dma_wait3A_478 : memref<16x128xf32, #tpu.memory_space<vmem>>) dst(%dma_wait3A_481 : memref<16384x128xf32, #tpu.memory_space<hbm>>)
    %dma_wait3A_482 = arith.constant 352 : i32
    %dma_wait3A_483 = arith.constant 0 : i32
    %dma_wait3A_484 = tpu.memref_slice %arg9[%dma_wait3A_482, %dma_wait3A_483] : memref<512x128xf32, #tpu.memory_space<vmem>> -> memref<16x128xf32, #tpu.memory_space<vmem>>
    %dma_wait3A_485 = arith.constant 0 : i32
    %dma_wait3A_486 = arith.constant 0 : i32
    %dma_wait3A_487 = tpu.memref_slice %arg5[%dma_wait3A_485, %dma_wait3A_486] : memref<16384x128xf32, #tpu.memory_space<hbm>> -> memref<16384x128xf32, #tpu.memory_space<hbm>>
    tpu.wait_indirect_dma semaphore(%arg12 : memref<!tpu.dma_semaphore, #tpu.memory_space<semaphore_mem>>) src(%dma_wait3A_484 : memref<16x128xf32, #tpu.memory_space<vmem>>) dst(%dma_wait3A_487 : memref<16384x128xf32, #tpu.memory_space<hbm>>)
    %dma_wait3A_488 = arith.constant 368 : i32
    %dma_wait3A_489 = arith.constant 0 : i32
    %dma_wait3A_490 = tpu.memref_slice %arg9[%dma_wait3A_488, %dma_wait3A_489] : memref<512x128xf32, #tpu.memory_space<vmem>> -> memref<16x128xf32, #tpu.memory_space<vmem>>
    %dma_wait3A_491 = arith.constant 0 : i32
    %dma_wait3A_492 = arith.constant 0 : i32
    %dma_wait3A_493 = tpu.memref_slice %arg5[%dma_wait3A_491, %dma_wait3A_492] : memref<16384x128xf32, #tpu.memory_space<hbm>> -> memref<16384x128xf32, #tpu.memory_space<hbm>>
    tpu.wait_indirect_dma semaphore(%arg12 : memref<!tpu.dma_semaphore, #tpu.memory_space<semaphore_mem>>) src(%dma_wait3A_490 : memref<16x128xf32, #tpu.memory_space<vmem>>) dst(%dma_wait3A_493 : memref<16384x128xf32, #tpu.memory_space<hbm>>)
    %dma_wait3A_494 = arith.constant 384 : i32
    %dma_wait3A_495 = arith.constant 0 : i32
    %dma_wait3A_496 = tpu.memref_slice %arg9[%dma_wait3A_494, %dma_wait3A_495] : memref<512x128xf32, #tpu.memory_space<vmem>> -> memref<16x128xf32, #tpu.memory_space<vmem>>
    %dma_wait3A_497 = arith.constant 0 : i32
    %dma_wait3A_498 = arith.constant 0 : i32
    %dma_wait3A_499 = tpu.memref_slice %arg5[%dma_wait3A_497, %dma_wait3A_498] : memref<16384x128xf32, #tpu.memory_space<hbm>> -> memref<16384x128xf32, #tpu.memory_space<hbm>>
    tpu.wait_indirect_dma semaphore(%arg12 : memref<!tpu.dma_semaphore, #tpu.memory_space<semaphore_mem>>) src(%dma_wait3A_496 : memref<16x128xf32, #tpu.memory_space<vmem>>) dst(%dma_wait3A_499 : memref<16384x128xf32, #tpu.memory_space<hbm>>)
    %dma_wait3A_500 = arith.constant 400 : i32
    %dma_wait3A_501 = arith.constant 0 : i32
    %dma_wait3A_502 = tpu.memref_slice %arg9[%dma_wait3A_500, %dma_wait3A_501] : memref<512x128xf32, #tpu.memory_space<vmem>> -> memref<16x128xf32, #tpu.memory_space<vmem>>
    %dma_wait3A_503 = arith.constant 0 : i32
    %dma_wait3A_504 = arith.constant 0 : i32
    %dma_wait3A_505 = tpu.memref_slice %arg5[%dma_wait3A_503, %dma_wait3A_504] : memref<16384x128xf32, #tpu.memory_space<hbm>> -> memref<16384x128xf32, #tpu.memory_space<hbm>>
    tpu.wait_indirect_dma semaphore(%arg12 : memref<!tpu.dma_semaphore, #tpu.memory_space<semaphore_mem>>) src(%dma_wait3A_502 : memref<16x128xf32, #tpu.memory_space<vmem>>) dst(%dma_wait3A_505 : memref<16384x128xf32, #tpu.memory_space<hbm>>)
    %dma_wait3A_506 = arith.constant 416 : i32
    %dma_wait3A_507 = arith.constant 0 : i32
    %dma_wait3A_508 = tpu.memref_slice %arg9[%dma_wait3A_506, %dma_wait3A_507] : memref<512x128xf32, #tpu.memory_space<vmem>> -> memref<16x128xf32, #tpu.memory_space<vmem>>
    %dma_wait3A_509 = arith.constant 0 : i32
    %dma_wait3A_510 = arith.constant 0 : i32
    %dma_wait3A_511 = tpu.memref_slice %arg5[%dma_wait3A_509, %dma_wait3A_510] : memref<16384x128xf32, #tpu.memory_space<hbm>> -> memref<16384x128xf32, #tpu.memory_space<hbm>>
    tpu.wait_indirect_dma semaphore(%arg12 : memref<!tpu.dma_semaphore, #tpu.memory_space<semaphore_mem>>) src(%dma_wait3A_508 : memref<16x128xf32, #tpu.memory_space<vmem>>) dst(%dma_wait3A_511 : memref<16384x128xf32, #tpu.memory_space<hbm>>)
    %dma_wait3A_512 = arith.constant 432 : i32
    %dma_wait3A_513 = arith.constant 0 : i32
    %dma_wait3A_514 = tpu.memref_slice %arg9[%dma_wait3A_512, %dma_wait3A_513] : memref<512x128xf32, #tpu.memory_space<vmem>> -> memref<16x128xf32, #tpu.memory_space<vmem>>
    %dma_wait3A_515 = arith.constant 0 : i32
    %dma_wait3A_516 = arith.constant 0 : i32
    %dma_wait3A_517 = tpu.memref_slice %arg5[%dma_wait3A_515, %dma_wait3A_516] : memref<16384x128xf32, #tpu.memory_space<hbm>> -> memref<16384x128xf32, #tpu.memory_space<hbm>>
    tpu.wait_indirect_dma semaphore(%arg12 : memref<!tpu.dma_semaphore, #tpu.memory_space<semaphore_mem>>) src(%dma_wait3A_514 : memref<16x128xf32, #tpu.memory_space<vmem>>) dst(%dma_wait3A_517 : memref<16384x128xf32, #tpu.memory_space<hbm>>)
    %dma_wait3A_518 = arith.constant 448 : i32
    %dma_wait3A_519 = arith.constant 0 : i32
    %dma_wait3A_520 = tpu.memref_slice %arg9[%dma_wait3A_518, %dma_wait3A_519] : memref<512x128xf32, #tpu.memory_space<vmem>> -> memref<16x128xf32, #tpu.memory_space<vmem>>
    %dma_wait3A_521 = arith.constant 0 : i32
    %dma_wait3A_522 = arith.constant 0 : i32
    %dma_wait3A_523 = tpu.memref_slice %arg5[%dma_wait3A_521, %dma_wait3A_522] : memref<16384x128xf32, #tpu.memory_space<hbm>> -> memref<16384x128xf32, #tpu.memory_space<hbm>>
    tpu.wait_indirect_dma semaphore(%arg12 : memref<!tpu.dma_semaphore, #tpu.memory_space<semaphore_mem>>) src(%dma_wait3A_520 : memref<16x128xf32, #tpu.memory_space<vmem>>) dst(%dma_wait3A_523 : memref<16384x128xf32, #tpu.memory_space<hbm>>)
    %dma_wait3A_524 = arith.constant 464 : i32
    %dma_wait3A_525 = arith.constant 0 : i32
    %dma_wait3A_526 = tpu.memref_slice %arg9[%dma_wait3A_524, %dma_wait3A_525] : memref<512x128xf32, #tpu.memory_space<vmem>> -> memref<16x128xf32, #tpu.memory_space<vmem>>
    %dma_wait3A_527 = arith.constant 0 : i32
    %dma_wait3A_528 = arith.constant 0 : i32
    %dma_wait3A_529 = tpu.memref_slice %arg5[%dma_wait3A_527, %dma_wait3A_528] : memref<16384x128xf32, #tpu.memory_space<hbm>> -> memref<16384x128xf32, #tpu.memory_space<hbm>>
    tpu.wait_indirect_dma semaphore(%arg12 : memref<!tpu.dma_semaphore, #tpu.memory_space<semaphore_mem>>) src(%dma_wait3A_526 : memref<16x128xf32, #tpu.memory_space<vmem>>) dst(%dma_wait3A_529 : memref<16384x128xf32, #tpu.memory_space<hbm>>)
    %dma_wait3A_530 = arith.constant 480 : i32
    %dma_wait3A_531 = arith.constant 0 : i32
    %dma_wait3A_532 = tpu.memref_slice %arg9[%dma_wait3A_530, %dma_wait3A_531] : memref<512x128xf32, #tpu.memory_space<vmem>> -> memref<16x128xf32, #tpu.memory_space<vmem>>
    %dma_wait3A_533 = arith.constant 0 : i32
    %dma_wait3A_534 = arith.constant 0 : i32
    %dma_wait3A_535 = tpu.memref_slice %arg5[%dma_wait3A_533, %dma_wait3A_534] : memref<16384x128xf32, #tpu.memory_space<hbm>> -> memref<16384x128xf32, #tpu.memory_space<hbm>>
    tpu.wait_indirect_dma semaphore(%arg12 : memref<!tpu.dma_semaphore, #tpu.memory_space<semaphore_mem>>) src(%dma_wait3A_532 : memref<16x128xf32, #tpu.memory_space<vmem>>) dst(%dma_wait3A_535 : memref<16384x128xf32, #tpu.memory_space<hbm>>)
    %dma_wait3A_536 = arith.constant 496 : i32
    %dma_wait3A_537 = arith.constant 0 : i32
    %dma_wait3A_538 = tpu.memref_slice %arg9[%dma_wait3A_536, %dma_wait3A_537] : memref<512x128xf32, #tpu.memory_space<vmem>> -> memref<16x128xf32, #tpu.memory_space<vmem>>
    %dma_wait3A_539 = arith.constant 0 : i32
    %dma_wait3A_540 = arith.constant 0 : i32
    %dma_wait3A_541 = tpu.memref_slice %arg5[%dma_wait3A_539, %dma_wait3A_540] : memref<16384x128xf32, #tpu.memory_space<hbm>> -> memref<16384x128xf32, #tpu.memory_space<hbm>>
    tpu.wait_indirect_dma semaphore(%arg12 : memref<!tpu.dma_semaphore, #tpu.memory_space<semaphore_mem>>) src(%dma_wait3A_538 : memref<16x128xf32, #tpu.memory_space<vmem>>) dst(%dma_wait3A_541 : memref<16384x128xf32, #tpu.memory_space<hbm>>)
    return
  }
}

</mosaic_0001>

<sc_bundles>
// kernel: _embed.3.cloned.1.call-start
scs
__scs_entry_jumppad:
0x0: {  	(pc) =	sbr.rel $0x88, $3  }
0x1: {  	(tag) =	ssettag $0x0;
	lr =	simm.s32 $0x1  }
0x2: {  	[smem:$0x3F9E] =	sst lr;
	_ =	strace $0xD0000000  }
0x3: {  	_ = 	snop  }
0x4: {  	_ = 	snop  }
0x5: {  	_ = 	snop  }
0x6: {  	_ = 	snop  }
0x7: {  	_ = 	snop  }
__scs_overlays_trampoline_lowered:
0x8: {  	[smem:$0x3FAD] =	sst s0  }
0x9: {  	[smem:$0x3FAE] =	sst s1  }
0xa: {  	[smem:$0x3FAF] =	sst s2  }
0xb: {  	[smem:$0x3FB0] =	sst s3  }
0xc: {  	[smem:$0x3FB1] =	sst s4  }
0xd: {  	[smem:$0x3FB2] =	sst s5  }
0xe: {  	[smem:$0x3FB3] =	sst s6  }
0xf: {  	[smem:$0x3FB4] =	sst s7  }
0x10: {  	[smem:$0x3FB5] =	sst s8  }
0x11: {  	[smem:$0x3FB6] =	sst s9;
	s0 =	simm.s32 @!p0 $0x0  }
0x12: {  	s1 =	sld [smem:$0x3F9C];
	s0 =	simm.s32 @p0 $0x1  }
0x13: {  	[smem:$0x3FB7] =	sst s0;
	s0 =	simm.s32 @!p1 $0x0  }
0x14: {  	s2 =	sld [smem:$0x3F9B];
	s0 =	simm.s32 @p1 $0x1  }
0x15: {  	[smem:$0x3FB8] =	sst s0;
	s0 =	simm.s32 @!p2 $0x0  }
0x16: {  	s3 =	sld [smem:$0x3FDB];
	s0 =	simm.s32 @p2 $0x1  }
0x17: {  	s4 =	simm.s32 $0x1BF5;
	[smem:$0x3FBA] =	sst s0  }
0x18: {  	s0 =	sld [smem:$0x3F9D];
	_ =	swait.ge [sflag:s4], $0x0  }
0x19: {  	s7 =	sld [smem:$0x3F9E]  }
0x1a: {  	s8 =	sadd.s32 $0xFFFFE003, lr  }
0x1b: {  	s9 =	sadd.s32 $0xFFFFFEF7, lr;
	s5 =	simm.s32 $0xFFFFFFFF;
	p2 =	slt.u32 s8, $0xFFFFF086  }
0x1c: {  	p1 =	slt.u32 s9, $0xF7A;
	s5 =	simm.s32 @!p2 $0x0  }
0x1d: {  	s5 =	simm.s32 @p1 $0x1;
	p0 =	seq.s32 s7, s2  }
0x1e: {  	s7 =	smul.u32 @!p0 $0xF7A, s2;
	p2 =	seq.s32 @!p0 s5, $0x0  }
0x1f: {  	s9 =	smul.u32 $0xF7A, s1;
	s8 =	simm.s32 @!p0 $0x1BF5;
	p2 =	por !p2, p0  }
0x20: {  	[sflag:s8] =	ssyncset.s32 @!p0 $0xFFFFF086;
	s6 =	sadd.s32 @!p0 s3, s7;
	s7 =	simm.s32 @!p0 $0x108  }
0x21: {  	s3 =	sadd.s32 s3, s9;
	s6 =	sadd.s32 @!p0 $0x88, s6;
	s7 =	simm.s32 @p2 $0x1082  }
0x22: {  	[simem:s7], [sflag:s8] =	dma.local @!p0 [hbm:s6], $0xF7A  }
0x23: {  	s9 =	sor.u32 $0xD0000000, s2;
	s6 =	simm.s32 $0x108;
	_ =	swait.ge @!p0 [sflag:s8], $0x0  }
0x24: {  	s3 =	sadd.s32 $0x88, s3;
	s6 =	simm.s32 @!p1 $0x1082;
	[sflag:s4] =	ssyncset.s32 $0xFFFFF086  }
0x25: {  	[simem:s6], [sflag:s4] =	dma.local [hbm:s3], $0xF7A  }
0x26: {  	[smem:$0x3F9E] =	sst s1;
	(tag) =	ssettag s2;
	_ =	strace s9  }
0x27: {  	s1 =	sld [smem:$0x3FAE]  }
0x28: {  	s2 =	sld [smem:$0x3FAF]  }
0x29: {  	s4 =	sld [smem:$0x3FB1]  }
0x2a: {  	p0 =	seq.s32 s5, $0x0;
	s5 =	sld [smem:$0x3FB2]  }
0x2b: {  	s6 =	sld [smem:$0x3FB3]  }
0x2c: {  	s7 =	sld [smem:$0x3FB4]  }
0x2d: {  	s3 =	simm.s32 $0x108;
	s8 =	sld [smem:$0x3FB5]  }
0x2e: {  	s3 =	simm.s32 @!p0 $0x1082;
	s9 =	sld [smem:$0x3FB6]  }
0x2f: {  	lr =	sadd.s32 s0, s3;
	s0 =	sld [smem:$0x3FAD]  }
0x30: {  	s3 =	sld [smem:$0x3FB0]  }
0x31: {  	[smem:$0x3FB9] =	sst s10  }
0x32: {  	s10 =	sld [smem:$0x3FB7];
	_ =	sdelay $0x3  }
0x33: {  	p0 =	seq.s32 s10, $0x1;
	s10 =	sld [smem:$0x3FB9];
	_ =	sdelay $0x3  }
0x34: {  	[smem:$0x3FB9] =	sst s10  }
0x35: {  	s10 =	sld [smem:$0x3FB8];
	_ =	sdelay $0x3  }
0x36: {  	p1 =	seq.s32 s10, $0x1;
	s10 =	sld [smem:$0x3FB9];
	_ =	sdelay $0x3  }
0x37: {  	[smem:$0x3FB9] =	sst s10  }
0x38: {  	s10 =	sld [smem:$0x3FBA]  }
0x39: {  	_ = 	snop;
	(pc) =	sbr.ind lr, $3  }
0x3a: {  	_ = 	snop  }
0x3b: {  	_ = 	snop  }
0x3c: {  	p2 =	seq.s32 s10, $0x1;
	s10 =	sld [smem:$0x3FB9]  }
0x3d: {  	_ =	shalt  }
0x3e: {  	_ =	shalt  }
0x3f: {  	_ =	shalt  }
0x40: {  	_ =	shalt  }
0x41: {  	_ =	shalt  }
0x42: {  	_ =	shalt  }
0x43: {  	_ =	shalt  }
0x44: {  	_ =	shalt  }
0x45: {  	_ =	shalt  }
0x46: {  	_ =	shalt  }
0x47: {  	_ =	shalt  }
0x48: {  	_ =	shalt  }
0x49: {  	_ =	shalt  }
0x4a: {  	_ =	shalt  }
0x4b: {  	_ =	shalt  }
0x4c: {  	_ =	shalt  }
0x4d: {  	_ =	shalt  }
0x4e: {  	_ =	shalt  }
0x4f: {  	_ =	shalt  }
0x50: {  	_ =	shalt  }
0x51: {  	_ =	shalt  }
0x52: {  	_ =	shalt  }
0x53: {  	_ =	shalt  }
0x54: {  	_ =	shalt  }
0x55: {  	_ =	shalt  }
0x56: {  	_ =	shalt  }
0x57: {  	_ =	shalt  }
0x58: {  	_ =	shalt  }
0x59: {  	_ =	shalt  }
0x5a: {  	_ =	shalt  }
0x5b: {  	_ =	shalt  }
0x5c: {  	_ =	shalt  }
0x5d: {  	_ =	shalt  }
0x5e: {  	_ =	shalt  }
0x5f: {  	_ =	shalt  }
0x60: {  	_ =	shalt  }
0x61: {  	_ =	shalt  }
0x62: {  	_ =	shalt  }
0x63: {  	_ =	shalt  }
0x64: {  	_ =	shalt  }
0x65: {  	_ =	shalt  }
0x66: {  	_ =	shalt  }
0x67: {  	_ =	shalt  }
0x68: {  	_ =	shalt  }
0x69: {  	_ =	shalt  }
0x6a: {  	_ =	shalt  }
0x6b: {  	_ =	shalt  }
0x6c: {  	_ =	shalt  }
0x6d: {  	_ =	shalt  }
0x6e: {  	_ =	shalt  }
0x6f: {  	_ =	shalt  }
0x70: {  	_ =	shalt  }
0x71: {  	_ =	shalt  }
0x72: {  	_ =	shalt  }
0x73: {  	_ =	shalt  }
0x74: {  	_ =	shalt  }
0x75: {  	_ =	shalt  }
0x76: {  	_ =	shalt  }
0x77: {  	_ =	shalt  }
0x78: {  	_ =	shalt  }
0x79: {  	_ =	shalt  }
0x7a: {  	_ =	shalt  }
0x7b: {  	_ =	shalt  }
0x7c: {  	_ =	shalt  }
0x7d: {  	_ =	shalt  }
0x7e: {  	_ =	shalt  }
0x7f: {  	_ =	shalt  }
0x80: {  	_ =	shalt  }
0x81: {  	_ =	shalt  }
0x82: {  	_ =	shalt  }
0x83: {  	_ =	shalt  }
0x84: {  	_ =	shalt  }
0x85: {  	_ =	shalt  }
0x86: {  	_ =	shalt  }
0x87: {  	_ =	shalt  }
.Lfunc_end0:
.L_simem_size_0:
called_computation_lowered:
.L_overlay_start_0:
0x88: {  	s2 =	sld [smem:$0x3FD9]  }
0x89: {  	s3 =	sld [smem:$0x3FFE];
	_ =	sdelay $0x1  }
0x8a: {  	s1 =	srdreg.scid  }
0x8b: {  	s0 =	sand.u32 $0x1, s1  }
0x8c: {  	s18 =	sshll.u32 s0, $0xA;
	s2 =	sadd.s32 s3, s2  }
0x8d: {  	s2 =	sadd.s32 s2, s18  }
0x8e: {  	[smem:$0x3FC5] =	sst s2  }
0x8f: {  	_ = 	snop  }
0x90: {  	s2 =	sld [smem:$0x3FC9]  }
0x91: {  	s19 =	sld [smem:$0x3FC8]  }
0x92: {  	s4 =	sld [smem:$0x3FC7]  }
0x93: {  	s5 =	sld [smem:$0x3FD0];
	(tm) =	ssettm $0x1  }
0x94: {  	s6 =	sld [smem:$0x3FFB];
	_ =	sdelay $0x3  }
0x95: {  	_ =	strace s6  }
0x96: {  	s6 =	sld [smem:$0x3FFC];
	_ =	sdelay $0x3  }
0x97: {  	_ =	strace s6  }
0x98: {  	s6 =	sld [smem:$0x3FFD];
	_ =	sdelay $0x3  }
0x99: {  	_ =	strace s6  }
0x9a: {  	_ =	strace $0x8FFFFFFF  }
0x9b: {  	s20 =	sld [smem:$0x3FDB];
	_ =	sdelay $0x1  }
0x9c: {  	s7 =	simm.s32 $_scs_section_size  }
0x9d: {  	s8 =	simm.s32 $_size__tile_overlayer_lowered;
	s9 =	simm.s32 $_tile_overlayer_lowered  }
0x9e: {  	s23 =	simm.s32 $0x1BFF;
	s22 =	sshll.u32 s9, $0x1;
	s6 =	sadd.s32 s7, s20  }
0x9f: {  	s10 =	simm.s32 $0x0;
	s21 =	sshll.u32 s8, $0x1;
	s8 =	sadd.s32 s22, s6  }
0xa0: {  	[timem:s10], [sflag:s23] =	dma.local [hbm:s8], s21  }
0xa1: {  	_ =	swait.ge [sflag:s23], s21  }
0xa2: {  	s7 =	ssub.s32 $0x0, s21;
	[sflag:s23] =	ssyncset.done $0x0  }
0xa3: {  	[sflag:s23] =	ssyncadd.s32 s7;
	_ =	sdelay $0x1  }
0xa4: {  	s24 =	simm.s32 $0x1B8B  }
0xa5: {  	_ =	swait.ge [sflag:s24], $0x1  }
0xa6: {  	[sflag:s24] =	ssyncset.done $0x0  }
0xa7: {  	s25 =	simm.s32 $0x1B8E;
	[sflag:s24] =	ssyncadd.s32 $0xFFFFFFFF  }
0xa8: {  	s26 =	simm.s32 $execute0_lowered;
	[smem:$0x3FD2] =	sst s25  }
0xa9: {  	s7 =	sshll.u32 s26, $0x1;
	_ =	strace $0x80000046;
	[dreg:$0x1] =	wrdreg $0xFFFFFFFF  }
0xaa: {  	s28 =	simm.s32 $_size_execute0_lowered;
	s6 =	sadd.s32 s6, s7;
	[dreg:$0x0] =	wrdreg $0x0  }
0xab: {  	s7 =	sshll.u32 s28, $0x1;
	[dreg:$0x2] =	wrdreg s6  }
0xac: {  	[dreg:$0x3] =	wrdreg s7  }
0xad: {  	[dreg:$0x4] =	wrdreg $0xC0  }
0xae: {  	_ =	task [dreg:s10], $0x5FFFF  }
0xaf: {  	[dreg:$0x1] =	wrdreg $0xFFFFFFFF  }
0xb0: {  	[dreg:$0x0] =	wrdreg $0x60  }
0xb1: {  	[dreg:$0x2] =	wrdreg s4  }
0xb2: {  	[dreg:$0x3] =	wrdreg s2  }
0xb3: {  	[dreg:$0x4] =	wrdreg s19  }
0xb4: {  	[dreg:$0x5] =	wrdreg s5  }
0xb5: {  	[dreg:$0x6] =	wrdreg $0x9  }
0xb6: {  	_ =	task.clear_ibuf [dreg:s10], $0x7FFFF;
	_ =	strace $0x90000046  }
0xb7: {  	s29 =	simm.s32 $0x9;
	_ =	strace $0x80000048  }
0xb8: {  	_ =	swait.ge [sflag:s29], $0x1  }
0xb9: {  	[sflag:s29] =	ssyncadd.s32 $0xFFFFFFFF  }
0xba: {  	_ =	strace $0x90000048  }
0xbb: {  	_ =	sfence  }
0xbc: {  	s30 =	sld [smem:$0x0];
	_ =	sdelay $0x2  }
0xbd: {  	s31 =	sshll.u32 s1, $0xD;
	s1 =	sshrl.u32 s1, $0x2  }
0xbe: {  	s3 =	sand.u32 $0x4000, s31;
	s1 =	sadd.s32 s1, s30  }
0xbf: {  	s0 =	sor.u32 s3, s0;
	s1 =	sshll.u32 s1, $0x11  }
0xc0: {  	s0 =	sor.u32 s1, s0  }
0xc1: {  	s0 =	sadd.s32 $0x8F2B, s0  }
0xc2: {  	[sflag:s0] =	ssyncadd.remote.s32 $0x1  }
0xc3: {  	_ =	sfence.sel $0xFFFF  }
0xc4: {  	[dreg:$0x0] =	wrdreg $0xFFFFFFFF;
	(pc) =	sbr.abs _section_cstart, $3  }
0xc5: {  	[dreg:$0x1] =	wrdreg $0xFFFFFFFF  }
0xc6: {  	_ =	task.clear_ibuf [dreg:s10], $0x2FFFF;
	_ =	strace $0x9FFFFFFF  }
0xc7: {  	(tm) =	ssettm $0x7FFFFFFF  }
tec
execute0_lowered:
.L_overlay_start_1:
0x0: {  	(tag) =	ssettag $0x1  }
0x1: {  	s1 =	rddreg [dreg:$0x0]  }
0x2: {  	s0 =	rddreg [dreg:$0x1]  }
0x3: {  	s3 =	rddreg [dreg:$0x2]  }
0x4: {  	s2 =	rddreg [dreg:$0x3]  }
0x5: {  	s5 =	srdreg.scid;
	s4 =	simm.s32 $0x0;
	s8 =	stileid.u32  }
0x6: {  	s9 =	simm.s32 $0x200;
	s10 =	simm.s32 $0x17C00;
	s11 =	simm.s32 $0x18400  }
0x7: {  	s12 =	simm.s32 $0x18C00;
	s13 =	simm.s32 $0x19400;
	s14 =	simm.s32 $0x19C00  }
0x8: {  	s15 =	simm.s32 $0x1A400;
	s16 =	simm.s32 $0x1AC00;
	s17 =	simm.s32 $0x1B400  }
0x9: {  	s18 =	simm.s32 $0x1BC00;
	s19 =	simm.s32 $0x7;
	s20 =	simm.s32 $0x0  }
.Ltmp0:
0xa: {  	s5 =	sand.u32 $0x1, s5;
	[smem:$0x7FF] =	sst s4;
	(pc) =	sbr.rel .LBB2_1-.Ltmp0, $4  }
0xb: {  	v0 =	vlaneseq.u32;
	s8 =	sshll.u32 s8, $0x7;
	s6 =	ssub.s32 $0x2, s5;
	s5 =	sshll.u32 s5, $0x6  }
0xc: {  	v0 =	vmul.u32 $0x80, v0;
	_ =	strace $0x80000047;
	s7 =	sshrl.u32 s6, $0x1;
	s31 =	sor.u32 s5, s8  }
0xd: {  	vm0 =	vmmov $0x1;
	vm1 =	vmmov $0xffff;
	s8 =	simm.s32 $0x8;
	s7 =	ssub.s32 s6, s7;
	s5 =	sadd.s32 s0, s31  }
0xe: {  	v1 =	vor.u32 $0x800, v0;
	v2 =	vor.u32 $0x1000, v0;
	v3 =	vor.u32 $0x1800, v0;
	s6 =	sadd.s32 s3, s31;
	s3 =	simm.s32 $0x17400;
	s7 =	smax.u32 s7, $0x1  }
.LBB2_13:
0xf: {  	v4 =	vld [tilespmem:$0x200];
	_ =	sdelay $0x6  }
0x10: {  	s0 =	simm.s32 $0xC400  }
0x11: {  	[hbm4b:s2+s4] =	stream.indirect_vreg.scatter [tilespmem:s0], [sflag:$0x7], $0x80, v4, vm1, $0xb8;
	[tilespmem:$0x1C400] =	vst v63  }
0x12: {  	v4 =	vld [tilespmem:$0x210];
	_ =	sdelay $0x6  }
0x13: {  	s31 =	simm.s32 $0xCC00  }
0x14: {  	[hbm4b:s2+s4] =	stream.indirect_vreg.scatter [tilespmem:s31], [sflag:$0x7], $0x80, v4, vm1, $0xb8;
	[tilespmem:$0x1C400] =	vst v63  }
0x15: {  	v4 =	vld [tilespmem:$0x220];
	_ =	sdelay $0x6  }
0x16: {  	s21 =	simm.s32 $0xD400  }
0x17: {  	[hbm4b:s2+s4] =	stream.indirect_vreg.scatter [tilespmem:s21], [sflag:$0x7], $0x80, v4, vm1, $0xb8;
	[tilespmem:$0x1C400] =	vst v63  }
0x18: {  	v4 =	vld [tilespmem:$0x230];
	_ =	sdelay $0x6  }
0x19: {  	s22 =	simm.s32 $0xDC00  }
0x1a: {  	[hbm4b:s2+s4] =	stream.indirect_vreg.scatter [tilespmem:s22], [sflag:$0x7], $0x80, v4, vm1, $0xb8;
	[tilespmem:$0x1C400] =	vst v63  }
0x1b: {  	v4 =	vld [tilespmem:$0x240];
	_ =	sdelay $0x6  }
0x1c: {  	s23 =	simm.s32 $0xE400  }
0x1d: {  	[hbm4b:s2+s4] =	stream.indirect_vreg.scatter [tilespmem:s23], [sflag:$0x7], $0x80, v4, vm1, $0xb8;
	[tilespmem:$0x1C400] =	vst v63  }
0x1e: {  	v4 =	vld [tilespmem:$0x250];
	_ =	sdelay $0x6  }
0x1f: {  	s24 =	simm.s32 $0xEC00  }
0x20: {  	[hbm4b:s2+s4] =	stream.indirect_vreg.scatter [tilespmem:s24], [sflag:$0x7], $0x80, v4, vm1, $0xb8;
	[tilespmem:$0x1C400] =	vst v63  }
0x21: {  	v4 =	vld [tilespmem:$0x260];
	_ =	sdelay $0x6  }
0x22: {  	s25 =	simm.s32 $0xF400  }
0x23: {  	[hbm4b:s2+s4] =	stream.indirect_vreg.scatter [tilespmem:s25], [sflag:$0x7], $0x80, v4, vm1, $0xb8;
	[tilespmem:$0x1C400] =	vst v63  }
0x24: {  	v4 =	vld [tilespmem:$0x270];
	_ =	sdelay $0x6  }
0x25: {  	s26 =	simm.s32 $0xFC00  }
0x26: {  	[hbm4b:s2+s4] =	stream.indirect_vreg.scatter [tilespmem:s26], [sflag:$0x7], $0x80, v4, vm1, $0xb8;
	[tilespmem:$0x1C400] =	vst v63  }
0x27: {  	v4 =	vld [tilespmem:$0x280];
	_ =	sdelay $0x6  }
0x28: {  	s28 =	simm.s32 $0x10400  }
0x29: {  	[hbm4b:s2+s4] =	stream.indirect_vreg.scatter [tilespmem:s28], [sflag:$0x7], $0x80, v4, vm1, $0xb8;
	[tilespmem:$0x1C400] =	vst v63  }
0x2a: {  	v4 =	vld [tilespmem:$0x290];
	_ =	sdelay $0x6  }
0x2b: {  	s29 =	simm.s32 $0x10C00  }
0x2c: {  	[hbm4b:s2+s4] =	stream.indirect_vreg.scatter [tilespmem:s29], [sflag:$0x7], $0x80, v4, vm1, $0xb8;
	[tilespmem:$0x1C400] =	vst v63  }
0x2d: {  	v4 =	vld [tilespmem:$0x2A0];
	_ =	sdelay $0x6  }
0x2e: {  	s30 =	simm.s32 $0x11400  }
0x2f: {  	[hbm4b:s2+s4] =	stream.indirect_vreg.scatter [tilespmem:s30], [sflag:$0x7], $0x80, v4, vm1, $0xb8;
	[tilespmem:$0x1C400] =	vst v63  }
0x30: {  	v4 =	vld [tilespmem:$0x2B0];
	_ =	sdelay $0x6  }
0x31: {  	s31 =	simm.s32 $0x11C00  }
0x32: {  	[hbm4b:s2+s4] =	stream.indirect_vreg.scatter [tilespmem:s31], [sflag:$0x7], $0x80, v4, vm1, $0xb8;
	[tilespmem:$0x1C400] =	vst v63  }
0x33: {  	v4 =	vld [tilespmem:$0x2C0];
	_ =	sdelay $0x6  }
0x34: {  	s21 =	simm.s32 $0x12400  }
0x35: {  	[hbm4b:s2+s4] =	stream.indirect_vreg.scatter [tilespmem:s21], [sflag:$0x7], $0x80, v4, vm1, $0xb8;
	[tilespmem:$0x1C400] =	vst v63  }
0x36: {  	v4 =	vld [tilespmem:$0x2D0];
	_ =	sdelay $0x6  }
0x37: {  	s22 =	simm.s32 $0x12C00  }
0x38: {  	[hbm4b:s2+s4] =	stream.indirect_vreg.scatter [tilespmem:s22], [sflag:$0x7], $0x80, v4, vm1, $0xb8;
	[tilespmem:$0x1C400] =	vst v63  }
0x39: {  	v4 =	vld [tilespmem:$0x2E0];
	_ =	sdelay $0x6  }
0x3a: {  	s23 =	simm.s32 $0x13400  }
0x3b: {  	[hbm4b:s2+s4] =	stream.indirect_vreg.scatter [tilespmem:s23], [sflag:$0x7], $0x80, v4, vm1, $0xb8;
	[tilespmem:$0x1C400] =	vst v63  }
0x3c: {  	v4 =	vld [tilespmem:$0x2F0];
	_ =	sdelay $0x6  }
0x3d: {  	s24 =	simm.s32 $0x13C00  }
0x3e: {  	[hbm4b:s2+s4] =	stream.indirect_vreg.scatter [tilespmem:s24], [sflag:$0x7], $0x80, v4, vm1, $0xb8;
	[tilespmem:$0x1C400] =	vst v63  }
0x3f: {  	v4 =	vld [tilespmem:$0x300];
	_ =	sdelay $0x6  }
0x40: {  	s25 =	simm.s32 $0x14400  }
0x41: {  	[hbm4b:s2+s4] =	stream.indirect_vreg.scatter [tilespmem:s25], [sflag:$0x7], $0x80, v4, vm1, $0xb8;
	[tilespmem:$0x1C400] =	vst v63  }
0x42: {  	v4 =	vld [tilespmem:$0x310];
	_ =	sdelay $0x6  }
0x43: {  	s26 =	simm.s32 $0x14C00  }
0x44: {  	[hbm4b:s2+s4] =	stream.indirect_vreg.scatter [tilespmem:s26], [sflag:$0x7], $0x80, v4, vm1, $0xb8;
	[tilespmem:$0x1C400] =	vst v63  }
0x45: {  	v4 =	vld [tilespmem:$0x320];
	_ =	sdelay $0x6  }
0x46: {  	s28 =	simm.s32 $0x15400  }
0x47: {  	[hbm4b:s2+s4] =	stream.indirect_vreg.scatter [tilespmem:s28], [sflag:$0x7], $0x80, v4, vm1, $0xb8;
	[tilespmem:$0x1C400] =	vst v63  }
0x48: {  	v4 =	vld [tilespmem:$0x330];
	_ =	sdelay $0x6  }
0x49: {  	s29 =	simm.s32 $0x15C00  }
0x4a: {  	[hbm4b:s2+s4] =	stream.indirect_vreg.scatter [tilespmem:s29], [sflag:$0x7], $0x80, v4, vm1, $0xb8;
	[tilespmem:$0x1C400] =	vst v63  }
0x4b: {  	v4 =	vld [tilespmem:$0x340];
	_ =	sdelay $0x6  }
0x4c: {  	s30 =	simm.s32 $0x16400  }
0x4d: {  	[hbm4b:s2+s4] =	stream.indirect_vreg.scatter [tilespmem:s30], [sflag:$0x7], $0x80, v4, vm1, $0xb8;
	[tilespmem:$0x1C400] =	vst v63  }
0x4e: {  	v4 =	vld [tilespmem:$0x350];
	_ =	sdelay $0x6  }
0x4f: {  	s31 =	simm.s32 $0x16C00  }
0x50: {  	[hbm4b:s2+s4] =	stream.indirect_vreg.scatter [tilespmem:s31], [sflag:$0x7], $0x80, v4, vm1, $0xb8;
	[tilespmem:$0x1C400] =	vst v63  }
0x51: {  	v4 =	vld [tilespmem:$0x360];
	_ =	sdelay $0x7  }
0x52: {  	[hbm4b:s2+s4] =	stream.indirect_vreg.scatter [tilespmem:s3], [sflag:$0x7], $0x80, v4, vm1, $0xb8;
	[tilespmem:$0x1C400] =	vst v63  }
0x53: {  	v4 =	vld [tilespmem:$0x370];
	_ =	sdelay $0x7  }
0x54: {  	[hbm4b:s2+s4] =	stream.indirect_vreg.scatter [tilespmem:s10], [sflag:$0x7], $0x80, v4, vm1, $0xb8;
	[tilespmem:$0x1C400] =	vst v63  }
0x55: {  	v4 =	vld [tilespmem:$0x380];
	_ =	sdelay $0x7  }
0x56: {  	[hbm4b:s2+s4] =	stream.indirect_vreg.scatter [tilespmem:s11], [sflag:$0x7], $0x80, v4, vm1, $0xb8;
	[tilespmem:$0x1C400] =	vst v63  }
0x57: {  	v4 =	vld [tilespmem:$0x390];
	_ =	sdelay $0x7  }
0x58: {  	[hbm4b:s2+s4] =	stream.indirect_vreg.scatter [tilespmem:s12], [sflag:$0x7], $0x80, v4, vm1, $0xb8;
	[tilespmem:$0x1C400] =	vst v63  }
0x59: {  	v4 =	vld [tilespmem:$0x3A0];
	_ =	sdelay $0x7  }
0x5a: {  	[hbm4b:s2+s4] =	stream.indirect_vreg.scatter [tilespmem:s13], [sflag:$0x7], $0x80, v4, vm1, $0xb8;
	[tilespmem:$0x1C400] =	vst v63  }
0x5b: {  	v4 =	vld [tilespmem:$0x3B0];
	_ =	sdelay $0x7  }
0x5c: {  	[hbm4b:s2+s4] =	stream.indirect_vreg.scatter [tilespmem:s14], [sflag:$0x7], $0x80, v4, vm1, $0xb8;
	[tilespmem:$0x1C400] =	vst v63  }
0x5d: {  	v4 =	vld [tilespmem:$0x3C0];
	_ =	sdelay $0x7  }
0x5e: {  	[hbm4b:s2+s4] =	stream.indirect_vreg.scatter [tilespmem:s15], [sflag:$0x7], $0x80, v4, vm1, $0xb8;
	[tilespmem:$0x1C400] =	vst v63  }
0x5f: {  	v4 =	vld [tilespmem:$0x3D0];
	_ =	sdelay $0x7  }
0x60: {  	[hbm4b:s2+s4] =	stream.indirect_vreg.scatter [tilespmem:s16], [sflag:$0x7], $0x80, v4, vm1, $0xb8;
	[tilespmem:$0x1C400] =	vst v63  }
0x61: {  	v4 =	vld [tilespmem:$0x3E0];
	_ =	sdelay $0x7  }
0x62: {  	[hbm4b:s2+s4] =	stream.indirect_vreg.scatter [tilespmem:s17], [sflag:$0x7], $0x80, v4, vm1, $0xb8;
	[tilespmem:$0x1C400] =	vst v63  }
0x63: {  	v4 =	vld [tilespmem:$0x3F0];
	_ =	sdelay $0x7  }
0x64: {  	[hbm4b:s2+s4] =	stream.indirect_vreg.scatter [tilespmem:s18], [sflag:$0x7], $0x80, v4, vm1, $0xb8;
	[tilespmem:$0x1C400] =	vst v63  }
0x65: {  	_ =	swait.ge [sflag:s19], $0x800  }
0x66: {  	[sflag:s19] =	ssyncset.done $0x0  }
0x67: {  	[sflag:s19] =	ssyncadd.s32 $0xFFFFF800  }
0x68: {  	_ =	swait.ge [sflag:s19], $0x800  }
0x69: {  	[sflag:s19] =	ssyncset.done $0x0  }
0x6a: {  	[sflag:s19] =	ssyncadd.s32 $0xFFFFF800  }
0x6b: {  	_ =	swait.ge [sflag:s19], $0x800  }
0x6c: {  	[sflag:s19] =	ssyncset.done $0x0  }
0x6d: {  	[sflag:s19] =	ssyncadd.s32 $0xFFFFF800  }
0x6e: {  	_ =	swait.ge [sflag:s19], $0x800  }
0x6f: {  	[sflag:s19] =	ssyncset.done $0x0  }
0x70: {  	[sflag:s19] =	ssyncadd.s32 $0xFFFFF800  }
0x71: {  	_ =	swait.ge [sflag:s19], $0x800  }
0x72: {  	[sflag:s19] =	ssyncset.done $0x0  }
0x73: {  	[sflag:s19] =	ssyncadd.s32 $0xFFFFF800  }
0x74: {  	_ =	swait.ge [sflag:s19], $0x800  }
0x75: {  	[sflag:s19] =	ssyncset.done $0x0  }
0x76: {  	[sflag:s19] =	ssyncadd.s32 $0xFFFFF800  }
0x77: {  	_ =	swait.ge [sflag:s19], $0x800  }
0x78: {  	[sflag:s19] =	ssyncset.done $0x0  }
0x79: {  	[sflag:s19] =	ssyncadd.s32 $0xFFFFF800  }
0x7a: {  	_ =	swait.ge [sflag:s19], $0x800  }
0x7b: {  	[sflag:s19] =	ssyncset.done $0x0  }
0x7c: {  	[sflag:s19] =	ssyncadd.s32 $0xFFFFF800  }
0x7d: {  	_ =	swait.ge [sflag:s19], $0x800  }
0x7e: {  	[sflag:s19] =	ssyncset.done $0x0  }
0x7f: {  	[sflag:s19] =	ssyncadd.s32 $0xFFFFF800  }
0x80: {  	_ =	swait.ge [sflag:s19], $0x800  }
0x81: {  	[sflag:s19] =	ssyncset.done $0x0  }
0x82: {  	[sflag:s19] =	ssyncadd.s32 $0xFFFFF800  }
0x83: {  	_ =	swait.ge [sflag:s19], $0x800  }
0x84: {  	[sflag:s19] =	ssyncset.done $0x0  }
0x85: {  	[sflag:s19] =	ssyncadd.s32 $0xFFFFF800  }
0x86: {  	_ =	swait.ge [sflag:s19], $0x800  }
0x87: {  	[sflag:s19] =	ssyncset.done $0x0  }
0x88: {  	[sflag:s19] =	ssyncadd.s32 $0xFFFFF800  }
0x89: {  	_ =	swait.ge [sflag:s19], $0x800  }
0x8a: {  	[sflag:s19] =	ssyncset.done $0x0  }
0x8b: {  	[sflag:s19] =	ssyncadd.s32 $0xFFFFF800  }
0x8c: {  	_ =	swait.ge [sflag:s19], $0x800  }
0x8d: {  	[sflag:s19] =	ssyncset.done $0x0  }
0x8e: {  	[sflag:s19] =	ssyncadd.s32 $0xFFFFF800  }
0x8f: {  	_ =	swait.ge [sflag:s19], $0x800  }
0x90: {  	[sflag:s19] =	ssyncset.done $0x0  }
0x91: {  	[sflag:s19] =	ssyncadd.s32 $0xFFFFF800  }
0x92: {  	_ =	swait.ge [sflag:s19], $0x800  }
0x93: {  	[sflag:s19] =	ssyncset.done $0x0  }
0x94: {  	[sflag:s19] =	ssyncadd.s32 $0xFFFFF800  }
0x95: {  	_ =	swait.ge [sflag:s19], $0x800  }
0x96: {  	[sflag:s19] =	ssyncset.done $0x0  }
0x97: {  	[sflag:s19] =	ssyncadd.s32 $0xFFFFF800  }
0x98: {  	_ =	swait.ge [sflag:s19], $0x800  }
0x99: {  	[sflag:s19] =	ssyncset.done $0x0  }
0x9a: {  	[sflag:s19] =	ssyncadd.s32 $0xFFFFF800  }
0x9b: {  	_ =	swait.ge [sflag:s19], $0x800  }
0x9c: {  	[sflag:s19] =	ssyncset.done $0x0  }
0x9d: {  	[sflag:s19] =	ssyncadd.s32 $0xFFFFF800  }
0x9e: {  	_ =	swait.ge [sflag:s19], $0x800  }
0x9f: {  	[sflag:s19] =	ssyncset.done $0x0  }
0xa0: {  	[sflag:s19] =	ssyncadd.s32 $0xFFFFF800  }
0xa1: {  	_ =	swait.ge [sflag:s19], $0x800  }
0xa2: {  	[sflag:s19] =	ssyncset.done $0x0  }
0xa3: {  	[sflag:s19] =	ssyncadd.s32 $0xFFFFF800  }
0xa4: {  	_ =	swait.ge [sflag:s19], $0x800  }
0xa5: {  	[sflag:s19] =	ssyncset.done $0x0  }
0xa6: {  	[sflag:s19] =	ssyncadd.s32 $0xFFFFF800  }
0xa7: {  	_ =	swait.ge [sflag:s19], $0x800  }
0xa8: {  	[sflag:s19] =	ssyncset.done $0x0  }
0xa9: {  	[sflag:s19] =	ssyncadd.s32 $0xFFFFF800  }
0xaa: {  	_ =	swait.ge [sflag:s19], $0x800  }
0xab: {  	[sflag:s19] =	ssyncset.done $0x0  }
0xac: {  	[sflag:s19] =	ssyncadd.s32 $0xFFFFF800  }
0xad: {  	_ =	swait.ge [sflag:s19], $0x800  }
0xae: {  	[sflag:s19] =	ssyncset.done $0x0  }
0xaf: {  	[sflag:s19] =	ssyncadd.s32 $0xFFFFF800  }
0xb0: {  	_ =	swait.ge [sflag:s19], $0x800  }
0xb1: {  	[sflag:s19] =	ssyncset.done $0x0  }
0xb2: {  	[sflag:s19] =	ssyncadd.s32 $0xFFFFF800  }
0xb3: {  	_ =	swait.ge [sflag:s19], $0x800  }
0xb4: {  	[sflag:s19] =	ssyncset.done $0x0  }
0xb5: {  	[sflag:s19] =	ssyncadd.s32 $0xFFFFF800  }
0xb6: {  	_ =	swait.ge [sflag:s19], $0x800  }
0xb7: {  	[sflag:s19] =	ssyncset.done $0x0  }
0xb8: {  	[sflag:s19] =	ssyncadd.s32 $0xFFFFF800  }
0xb9: {  	_ =	swait.ge [sflag:s19], $0x800  }
0xba: {  	[sflag:s19] =	ssyncset.done $0x0  }
0xbb: {  	[sflag:s19] =	ssyncadd.s32 $0xFFFFF800  }
0xbc: {  	_ =	swait.ge [sflag:s19], $0x800  }
0xbd: {  	[sflag:s19] =	ssyncset.done $0x0  }
0xbe: {  	s20 =	sadd.s32 $0x1, s20;
	[sflag:s19] =	ssyncadd.s32 $0xFFFFF800  }
0xbf: {  	p0 =	sne.s32 s20, s7;
	_ =	swait.ge [sflag:s19], $0x800  }
.Ltmp1:
0xc0: {  	[sflag:s19] =	ssyncset.done $0x0;
	(pc) =	sbr.rel @!p0 .LBB2_14-.Ltmp1, $4  }
0xc1: {  	[sflag:s19] =	ssyncadd.s32 $0xFFFFF800  }
0xc2: {  	_ =	swait.ge [sflag:s19], $0x800  }
0xc3: {  	[sflag:s19] =	ssyncset.done $0x0  }
0xc4: {  	[sflag:s19] =	ssyncadd.s32 $0xFFFFF800  }
.LBB2_1:
0xc5: {  	[tilespmem:s4], [sflag:$0x8] =	stream.linear.gather [hbm4b:s5+s4], $0x200, $0x38;
	[tilespmem:$0x1C400] =	vst v63  }
0xc6: {  	_ =	swait.ge [sflag:s8], $0x200  }
0xc7: {  	[sflag:s8] =	ssyncset.done $0x0  }
0xc8: {  	[sflag:s8] =	ssyncadd.s32 $0xFFFFFE00  }
0xc9: {  	[tilespmem:s9], [sflag:$0x8] =	stream.linear.gather [hbm4b:s6+s4], $0x200, $0x38;
	[tilespmem:$0x1C400] =	vst v63  }
0xca: {  	_ =	swait.ge [sflag:s8], $0x200  }
0xcb: {  	[sflag:s8] =	ssyncset.done $0x0  }
0xcc: {  	s21 =	sand.u32 $0x1F0, s4;
	[sflag:s8] =	ssyncadd.s32 $0xFFFFFE00  }
0xcd: {  	v4 =	vld [tilespmem:s21+$0x0];
	_ =	sdelay $0x3  }
0xce: {  	v5 =	vmov s4  }
0xcf: {  	v4 =	vperm.xlane v4, v5;
	_ =	sdelay $0x1  }
0xd0: {  	v4 =	vnsel vm0, $0x0, v4  }
0xd1: {  	(xrf0) =	vadd.scan.msk.s32 $0xffff, v4;
	_ =	sdelay $0x5  }
0xd2: {  	v4, _, _ =	vpop (xrf0)  }
0xd3: {  	(v2sf) =	vpush v4, $0xF;
	_ =	sdelay $0xe  }
0xd4: {  	s26 =	spop (v2sf)  }
0xd5: {  	s21 =	sshra.s32 s26, $0x7  }
0xd6: {  	s22 =	simm.s32 $0x1;
	s23 =	simm.s32 $0x1;
	p0 =	seq.s32 s21, $0xFFFFFFFF  }
0xd7: {  	s25 =	simm.s32 $0x2;
	p1 =	sne.s32 s21, $0xFFFFFFFF;
	p2 =	por @!p0 $0x0, $0x0  }
0xd8: {  	s24 =	sand.u32 $0x1F0, s22;
	s23 =	simm.s32 @!p1 $0x0;
	p1 =	por p2, p0  }
0xd9: {  	[smem:s4] =	sst @!p0 s4;
	s23 =	sadd.s32 $0x0, s23;
	s26 =	sand.u32 @!p1 $0xFFFFF80, s26  }
0xda: {  	s29 =	simm.s32 @!p1 $0x0;
	s28 =	simm.s32 @!p1 $0x7A1400;
	s30 =	simm.s32 @!p1 $0x1  }
0xdb: {  	s31 =	simm.s32 @!p1 $0x400;
	s26 =	sadd.s32 @!p1 s1, s26;
	s29 =	sor.u32 @!p1 $0x400, s29  }
.LBB2_2:
0xdc: {  	[tilespmem:s29], [sflag:s30] =	stream.strided.gather @!p1 [hbm4b:s26+s31], $0x2000, s28, s31, $0x38;
	[tilespmem:$0x1C400] =	vst v63  }
0xdd: {  	s26 =	smov.u32 s25;
	v4 =	vld [tilespmem:s24+$0x0];
	s24 =	sand.u32 $0x1F0, s25;
	s25 =	sadd.s32 $0x1, s25  }
0xde: {  	s30 =	smov.u32 s23;
	p0 =	sne.s32 s25, $0x200;
	_ =	sdelay $0x2  }
0xdf: {  	v5 =	vmov s22  }
0xe0: {  	v4 =	vperm.xlane v4, v5;
	_ =	sdelay $0x1  }
0xe1: {  	v4 =	vnsel vm0, $0x0, v4  }
0xe2: {  	(xrf0) =	vadd.scan.msk.s32 $0xffff, v4;
	_ =	sdelay $0x5  }
0xe3: {  	v4, _, _ =	vpop (xrf0)  }
0xe4: {  	(v2sf) =	vpush v4, $0xF;
	_ =	sdelay $0xe  }
0xe5: {  	s28 =	spop (v2sf)  }
0xe6: {  	s29 =	sshra.s32 s28, $0x7  }
0xe7: {  	p1 =	seq.s32 s29, s21  }
0xe8: {  	p2 =	sne.s32 s29, s21;
	s21 =	smov.u32 s29;
	s29 =	simm.s32 $0x1  }
.Ltmp2:
0xe9: {  	p3 =	sgt.s32 @!p1 s23, $0x5;
	s29 =	simm.s32 @!p2 $0x0;
	(pc) =	sbr.rel @p0 .LBB2_2-.Ltmp2, $4  }
0xea: {  	[smem:s30] =	sst @!p1 s22;
	p1 =	por p3, p1;
	s23 =	sadd.s32 s29, s23  }
0xeb: {  	s22 =	smov.u32 s26;
	s28 =	sand.u32 @!p1 $0xFFFFF80, s28;
	s29 =	sshll.u32 @!p1 s30, $0xF  }
0xec: {  	s29 =	sshra.s32 @!p1 s29, $0x2;
	s26 =	sadd.s32 @!p1 s1, s28;
	s28 =	simm.s32 @!p1 $0x7A1400  }
0xed: {  	s30 =	sadd.s32 @!p1 $0x1, s30;
	s31 =	simm.s32 @!p1 $0x400;
	s29 =	sor.u32 @!p1 $0x400, s29  }
0xee: {  	[tilespmem:s29], [sflag:s30] =	stream.strided.gather @!p1 [hbm4b:s26+s31], $0x2000, s28, s31, $0x38;
	[tilespmem:$0x1C400] =	vst v63  }
0xef: {  	v4 =	vld [tilespmem:s24+$0x0];
	_ =	sdelay $0x3  }
0xf0: {  	v5 =	vmov s22  }
0xf1: {  	v4 =	vperm.xlane v4, v5;
	_ =	sdelay $0x1  }
0xf2: {  	v4 =	vnsel vm0, $0x0, v4  }
0xf3: {  	(xrf0) =	vadd.scan.msk.s32 $0xffff, v4;
	_ =	sdelay $0x5  }
0xf4: {  	v4, _, _ =	vpop (xrf0)  }
0xf5: {  	(v2sf) =	vpush v4, $0xF;
	_ =	sdelay $0xe  }
0xf6: {  	s24 =	spop (v2sf)  }
0xf7: {  	s25 =	sshra.s32 s24, $0x7  }
0xf8: {  	p0 =	seq.s32 s25, s21;
	p1 =	sne.s32 s25, s21;
	s21 =	simm.s32 $0x1  }
0xf9: {  	s21 =	simm.s32 @!p1 $0x0  }
0xfa: {  	p2 =	sgt.s32 @!p0 s23, $0x5;
	s21 =	sadd.s32 s21, s23  }
0xfb: {  	[smem:s23] =	sst @!p0 s22;
	p1 =	por p2, p0;
	p0 =	slt.s32 s21, $0x1  }
.Ltmp3:
0xfc: {  	s22 =	simm.s32 $0x0;
	s24 =	sand.u32 @!p1 $0xFFFFF80, s24;
	(pc) =	sbr.rel @!p0 .LBB2_4-.Ltmp3, $4  }
.Ltmp4:
0xfd: {  	s25 =	sshll.u32 @!p1 s23, $0xF;
	s26 =	simm.s32 @!p1 $0x7A1400;
	(pc) =	sbr.rel @p0 .LBB2_13-.Ltmp4, $4  }
0xfe: {  	s28 =	sadd.s32 @!p1 $0x1, s23;
	s29 =	simm.s32 @!p1 $0x400;
	s25 =	sshra.s32 @!p1 s25, $0x2  }
0xff: {  	[smem:s21] =	sst s9;
	s24 =	sadd.s32 @!p1 s1, s24;
	s25 =	sor.u32 @!p1 $0x400, s25  }
0x100: {  	[tilespmem:s25], [sflag:s28] =	stream.strided.gather @!p1 [hbm4b:s24+s29], $0x2000, s26, s29, $0x38;
	[tilespmem:$0x1C400] =	vst v63  }
0x101: {  	_ = 	snop  }
.LBB2_6:
0x102: {  	s25 =	smov.u32 s29  }
.LBB2_11:
0x103: {  	_ =	sdelay $0x2  }
0x104: {  	s0 =	sand.u32 $0xFFFFFFF0, s30;
	[tilespmem:s25+$0x10] =	vst @p0 v4  }
0x105: {  	v4 =	vld [tilespmem:s0+$0x0];
	_ =	sdelay $0x3  }
0x106: {  	v5 =	vmov s30  }
0x107: {  	v4 =	vperm.xlane v4, v5;
	_ =	sdelay $0x1  }
0x108: {  	v4 =	vand.u32 $0x7F, v4  }
0x109: {  	v5 =	vor.u32 v0, v4;
	_ =	sdelay $0x4  }
0x10a: {  	v5 =	vld.idx.msk [tilespmem:v5+s24+$0x0], $0xffff  }
0x10b: {  	v6 =	vor.u32 v1, v4;
	_ =	sdelay $0x1  }
0x10c: {  	s0 =	sadd.s32 @p0 $0x80, s25  }
0x10d: {  	s29 =	smov.u32 @p0 s0  }
0x10e: {  	[tilespmem:s29+$0xFFFFFFE0] =	vst v5  }
0x10f: {  	v5 =	vld.idx.msk [tilespmem:v6+s24+$0x0], $0xffff  }
0x110: {  	v63 =	vor.u32 v2, v4;
	_ =	sdelay $0x3  }
0x111: {  	[tilespmem:s29+$0xFFFFFFF0] =	vst v5  }
0x112: {  	v5 =	vld.idx.msk [tilespmem:v63+s24+$0x0], $0xffff  }
0x113: {  	v4 =	vor.u32 v3, v4;
	_ =	sdelay $0x3  }
0x114: {  	[tilespmem:s29+$0x0] =	vst v5  }
0x115: {  	v4 =	vld.idx.msk [tilespmem:v4+s24+$0x0], $0xffff;
	_ =	sdelay $0x4  }
0x116: {  	[tilespmem:s29+$0x10] =	vst v4  }
.LBB2_12:
0x117: {  	s0 =	sadd.s32 $0x6, s22  }
0x118: {  	p0 =	sge.s32 s0, s21  }
0x119: {  	s0 =	sld @!p0 [smem:s0+$0x0];
	_ =	sdelay $0x2  }
0x11a: {  	s25 =	sand.u32 @!p0 $0xFFFFFFF0, s0  }
0x11b: {  	v4 =	vld @!p0 [tilespmem:s25+$0x0];
	_ =	sdelay $0x3  }
0x11c: {  	v5 =	vmov @!p0 s0  }
0x11d: {  	v4 =	vperm.xlane @!p0 v4, v5  }
0x11e: {  	vm2 =	vmmov @!p0 $0x1  }
0x11f: {  	v4 =	vnsel @!p0 vm2, $0x0, v4  }
0x120: {  	(xrf0) =	vadd.scan.msk.s32 @!p0 $0xffff, v4;
	_ =	sdelay $0x5  }
0x121: {  	v4, _, _ =	vpop @!p0 (xrf0)  }
0x122: {  	(v2sf) =	vpush @!p0 v4, $0xF;
	_ =	sdelay $0xe  }
0x123: {  	s0 =	spop @!p0 (v2sf)  }
0x124: {  	s22 =	sadd.s32 $0x1, s22;
	s0 =	sand.u32 @!p0 $0xFFFFF80, s0  }
0x125: {  	s26 =	simm.s32 @!p0 $0x7A1400;
	s25 =	simm.s32 @!p0 $0x400;
	s0 =	sadd.s32 @!p0 s1, s0  }
0x126: {  	[tilespmem:s24], [sflag:s23] =	stream.strided.gather @!p0 [hbm4b:s0+s25], $0x2000, s26, s25, $0x38;
	[tilespmem:$0x1C400] =	vst v63  }
0x127: {  	p0 =	sne.s32 s22, s21  }
.Ltmp5:
0x128: {  	_ = 	snop;
	(pc) =	sbr.rel @!p0 .LBB2_13-.Ltmp5, $1  }
0x129: {  	_ =	sdelay $0x3  }
.LBB2_4:
0x12a: {  	s23 =	smulhi.u32 $0xAAAAAAAB, s22;
	_ =	sdelay $0x1  }
0x12b: {  	s23 =	sshrl.u32 s23, $0x2  }
0x12c: {  	s23 =	smul.u32 $0x6, s23;
	_ =	sdelay $0x1  }
0x12d: {  	s24 =	ssub.s32 s22, s23  }
0x12e: {  	s23 =	sadd.s32 $0x1, s24  }
0x12f: {  	_ =	swait.ge [sflag:s23], $0x2000  }
0x130: {  	[sflag:s23] =	ssyncset.done $0x0  }
0x131: {  	[sflag:s23] =	ssyncadd.s32 $0xFFFFE000  }
0x132: {  	s30 =	sld [smem:s22+$0x0]  }
0x133: {  	s26 =	sld [smem:s22+$0x1];
	_ =	sdelay $0x2  }
0x134: {  	p0 =	sge.s32 s30, s26  }
.Ltmp6:
0x135: {  	_ = 	snop;
	(pc) =	sbr.rel @p0 .LBB2_12-.Ltmp6, $3  }
0x136: {  	_ =	sdelay $0x1  }
0x137: {  	s24 =	sshll.u32 s24, $0xD  }
0x138: {  	s24 =	sor.u32 $0x400, s24  }
0x139: {  	s28 =	sadd.s32 $0x1, s30  }
0x13a: {  	p1 =	sne.s32 s26, s28  }
.Ltmp7:
0x13b: {  	_ = 	snop;
	(pc) =	sbr.rel @!p1 .LBB2_6-.Ltmp7, $4  }
0x13c: {  	_ = 	snop  }
0x13d: {  	s25 =	sshll.u32 s30, $0x9  }
0x13e: {  	s25 =	sshra.s32 s25, $0x2  }
0x13f: {  	p0 =	por $0x0, $0x0;
	s29 =	sadd.s32 $0xC420, s25  }
0x140: {  	s25 =	sand.u32 $0xFFFFFFF0, s30  }
0x141: {  	v4 =	vld [tilespmem:s25+$0x0];
	_ =	sdelay $0x3  }
0x142: {  	v5 =	vmov s30  }
0x143: {  	v4 =	vperm.xlane v4, v5;
	_ =	sdelay $0x1  }
0x144: {  	v4 =	vand.u32 $0x7F, v4  }
0x145: {  	v5 =	vor.u32 v0, v4;
	_ =	sdelay $0x4  }
0x146: {  	v5 =	vld.idx.msk [tilespmem:v5+s24+$0x0], $0xffff  }
0x147: {  	v6 =	vor.u32 v1, v4;
	_ =	sdelay $0x3  }
0x148: {  	[tilespmem:s29+$0xFFFFFFE0] =	vst v5  }
0x149: {  	v5 =	vld.idx.msk [tilespmem:v6+s24+$0x0], $0xffff  }
0x14a: {  	v6 =	vor.u32 v2, v4;
	_ =	sdelay $0x3  }
0x14b: {  	[tilespmem:s29+$0xFFFFFFF0] =	vst v5  }
0x14c: {  	v5 =	vld.idx.msk [tilespmem:v6+s24+$0x0], $0xffff  }
0x14d: {  	s30 =	sadd.s32 $0x1, s28;
	v4 =	vor.u32 v3, v4  }
0x14e: {  	p1 =	sne.s32 s26, s30  }
.Ltmp8:
0x14f: {  	_ = 	snop;
	(pc) =	sbr.rel @!p1 .LBB2_8-.Ltmp8, $4  }
0x150: {  	_ = 	snop  }
0x151: {  	[tilespmem:s29+$0x0] =	vst v5  }
0x152: {  	v4 =	vld.idx.msk [tilespmem:v4+s24+$0x0], $0xffff  }
0x153: {  	p0 =	por $0x1, $0x1;
	s25 =	smov.u32 s29  }
.LBB2_9:
0x154: {  	_ =	sdelay $0x2  }
0x155: {  	s31 =	sand.u32 $0xFFFFFFF0, s28  }
0x156: {  	s0 =	smov.u32 s30;
	s30 =	sadd.s32 $0x1, s30;
	[tilespmem:s25+$0x10] =	vst v4;
	s25 =	sadd.s32 $0x80, s25  }
0x157: {  	p1 =	sne.s32 s26, s30;
	v4 =	vld [tilespmem:s31+$0x0];
	_ =	sdelay $0x3  }
0x158: {  	v5 =	vmov s28;
	s28 =	smov.u32 s0  }
0x159: {  	v4 =	vperm.xlane v4, v5;
	_ =	sdelay $0x1  }
0x15a: {  	v4 =	vand.u32 $0x7F, v4  }
0x15b: {  	v5 =	vor.u32 v0, v4;
	_ =	sdelay $0x4  }
0x15c: {  	v5 =	vld.idx.msk [tilespmem:v5+s24+$0x0], $0xffff;
	_ =	sdelay $0x1  }
0x15d: {  	v6 =	vor.u32 v1, v4;
	_ =	sdelay $0x3  }
0x15e: {  	[tilespmem:s25+$0xFFFFFFE0] =	vst v5  }
0x15f: {  	v5 =	vld.idx.msk [tilespmem:v6+s24+$0x0], $0xffff;
	_ =	sdelay $0x1  }
0x160: {  	v6 =	vor.u32 v2, v4;
	_ =	sdelay $0x3  }
0x161: {  	[tilespmem:s25+$0xFFFFFFF0] =	vst v5  }
0x162: {  	v5 =	vld.idx.msk [tilespmem:v6+s24+$0x0], $0xffff;
	_ =	sdelay $0x1  }
0x163: {  	v4 =	vor.u32 v3, v4  }
.Ltmp9:
0x164: {  	(pc) =	sbr.rel @p1 .LBB2_9-.Ltmp9, $3  }
0x165: {  	_ =	sdelay $0x1  }
0x166: {  	[tilespmem:s25+$0x0] =	vst v5  }
0x167: {  	v4 =	vld.idx.msk [tilespmem:v4+s24+$0x0], $0xffff  }
.Ltmp10:
0x168: {  	(pc) =	sbr.rel .LBB2_11-.Ltmp10, $2  }
0x169: {  	_ =	sdelay $0x2  }
0x16a: {  	s30 =	smov.u32 s28  }
.LBB2_8:
.Ltmp11:
0x16b: {  	(pc) =	sbr.rel .LBB2_11-.Ltmp11, $2  }
0x16c: {  	_ =	sdelay $0x2  }
0x16d: {  	s30 =	smov.u32 s28;
	s25 =	smov.u32 s29  }
.LBB2_14:
0x16e: {  	_ =	sfence.sel $0x180000  }
0x16f: {  	[bflag:$0x0] =	sbarrier.arrive $0xFFFF  }
0x170: {  	_ =	strace $0x90000047  }
0x171: {  	s0 =	stileid.u32;
	[bflag:$0x2] =	sbarrier.arrive $0xFFFF  }
0x172: {  	p0 =	sne.s32 s0, $0x0;
	s0 =	rddreg [dreg:$0x4]  }
0x173: {  	s0 =	sadd.s32 @!p0 $0x100000, s0  }
0x174: {  	[sflag:s0] =	ssyncadd.tile.s32 @!p0 $0x1;
	_ =	shalt  }
.Lfunc_end2:
_tile_overlayer_lowered:
.L_overlay_start_2:
0x175: {  	(tag) =	ssettag $0x2  }
0x176: {  	s0 =	rddreg [dreg:$0x0];
	s2 =	stileid.u32  }
0x177: {  	s1 =	rddreg [dreg:$0x1];
	p0 =	sne.s32 s2, $0x0  }
0x178: {  	s3 =	rddreg [dreg:$0x2];
	[bflag:$0x3] =	sbarrier.arrive $0xFFFF;
	s2 =	simm.s32 @!p0 $0x1C08  }
0x179: {  	[timem:s3], [sflag:s2] =	dma.local @!p0 [hbm:s0], s1  }
0x17a: {  	s0 =	simm.s32 @!p0 $0x8  }
0x17b: {  	_ =	swait.ge @!p0 [sflag:s0], s1  }
0x17c: {  	s1 =	ssub.s32 @!p0 $0x0, s1;
	[sflag:s0] =	ssyncset.done @!p0 $0x0  }
0x17d: {  	[sflag:s0] =	ssyncadd.s32 @!p0 s1  }
0x17e: {  	[bflag:$0x3] =	sbarrier.arrive $0xFFFF  }
0x17f: {  	_ =	shalt  }

</sc_bundles>
